<compile_context>
chip_gen: v7x
topology: tpu7x:2x2x1
jax: 0.10.2.dev20260603
libtpu: 0.0.44.dev20260713+nightly
codegen_flags: <defaults>
</compile_context>

<pallas_src>
import functools

import jax
import jax.numpy as jnp
from jax import lax
from jax.experimental import pallas as pl
from jax.experimental.pallas import tpu as pltpu
from jax.experimental.pallas import tpu_sc as plsc

_EPS = 1e-15
_D = 128
_NC, _NS = 2, 16
_NW = _NC * _NS
_CHUNK = 80
_LANES = 16
_NACC = 4


def _dots_sc(z, pos_ei, neg_ei):
    e_total = 2 * pos_ei.shape[1]
    e_per_w = e_total // _NW
    n_chunks = e_per_w // _CHUNK
    mesh = plsc.VectorSubcoreMesh(core_axis_name="c", subcore_axis_name="s")

    @functools.partial(
        pl.kernel,
        out_type=jax.ShapeDtypeStruct((e_total,), jnp.float32),
        mesh=mesh,
        scratch_types=[
            pltpu.VMEM((e_per_w,), jnp.int32),
            pltpu.VMEM((e_per_w,), jnp.int32),
            pltpu.VMEM((e_per_w + _LANES,), jnp.float32),
            pltpu.VMEM((2, _CHUNK, _D), jnp.float32),
            pltpu.VMEM((2, _CHUNK, _D), jnp.float32),
            pltpu.SemaphoreType.DMA,
            pltpu.SemaphoreType.DMA,
            pltpu.SemaphoreType.DMA,
            pltpu.SemaphoreType.DMA,
        ],
        compiler_params=pltpu.CompilerParams(needs_layout_passes=False),
    )
    def dots_kernel(z_hbm, pos_hbm, neg_hbm, out_hbm,
                    sidx_v, didx_v, out_v, srows, drows,
                    sem_s0, sem_d0, sem_s1, sem_d1):
        sems = ((sem_s0, sem_d0), (sem_s1, sem_d1))
        wid = lax.axis_index("s") * _NC + lax.axis_index("c")
        base = pl.multiple_of(wid * e_per_w, 8)
        half_w = _NW // 2
        half_e = e_total // 2

        @pl.when(wid < half_w)
        def _():
            off = pl.multiple_of(wid * e_per_w, 8)
            pltpu.sync_copy(pos_hbm.at[pl.ds(off, e_per_w)], sidx_v)
            pltpu.sync_copy(pos_hbm.at[pl.ds(half_e + off, e_per_w)], didx_v)

        @pl.when(wid >= half_w)
        def _():
            off = pl.multiple_of((wid - half_w) * e_per_w, 8)
            pltpu.sync_copy(neg_hbm.at[pl.ds(off, e_per_w)], sidx_v)
            pltpu.sync_copy(neg_hbm.at[pl.ds(half_e + off, e_per_w)], didx_v)

        def gathers(c, b):
            off = pl.multiple_of(c * _CHUNK, 8)
            return (
                pltpu.make_async_copy(
                    z_hbm.at[sidx_v.at[pl.ds(off, _CHUNK)]], srows.at[b],
                    sems[b][0]),
                pltpu.make_async_copy(
                    z_hbm.at[didx_v.at[pl.ds(off, _CHUNK)]], drows.at[b],
                    sems[b][1]),
            )

        def issue(c, b):
            for cp in gathers(c, b):
                cp.start()

        def wait(c, b):
            for cp in gathers(c, b):
                cp.wait()

        iota16 = lax.iota(jnp.int32, _LANES)
        lane0 = iota16 == 0

        def compute(c, b):
            off = c * _CHUNK
            sb = srows.at[b]
            db = drows.at[b]

            @plsc.parallel_loop(0, _CHUNK, step=1, unroll=2)
            def edge(e):
                a0 = sb[e, pl.ds(0, _LANES)] * db[e, pl.ds(0, _LANES)]
                a1 = (sb[e, pl.ds(_LANES, _LANES)]
                      * db[e, pl.ds(_LANES, _LANES)])
                for k in range(2, _D // _LANES, 2):
                    a0 = a0 + (sb[e, pl.ds(k * _LANES, _LANES)]
                               * db[e, pl.ds(k * _LANES, _LANES)])
                    a1 = a1 + (sb[e, pl.ds((k + 1) * _LANES, _LANES)]
                               * db[e, pl.ds((k + 1) * _LANES, _LANES)])
                p = a0 + a1
                for h in (8, 4, 2, 1):
                    p = p + jnp.take_along_axis(p, iota16 ^ h, axis=0)
                plsc.store_compressed(out_v.at[pl.ds(off + e, _LANES)],
                                      p, mask=lane0)

        issue(0, 0)

        def body(i, _):
            c0 = 2 * i
            issue(c0 + 1, 1)
            wait(c0, 0)
            compute(c0, 0)

            @pl.when(c0 + 2 < n_chunks)
            def _():
                issue(c0 + 2, 0)

            wait(c0 + 1, 1)
            compute(c0 + 1, 1)
            return 0

        lax.fori_loop(0, n_chunks // 2, body, 0)
        pltpu.sync_copy(out_v.at[pl.ds(0, e_per_w)],
                        out_hbm.at[pl.ds(base, e_per_w)])

    return dots_kernel(z, pos_ei.reshape(-1), neg_ei.reshape(-1))


def _loss_tc(dots2d, n_per_side):
    rows = dots2d.shape[0]

    def body(d_ref, out_ref):
        v = d_ref[...]
        pos = v[: rows // 2]
        neg = v[rows // 2:]
        p = jax.nn.sigmoid(pos)
        q = jax.nn.sigmoid(neg)
        total = (jnp.sum(-jnp.log(p + _EPS))
                 + jnp.sum(-jnp.log(1.0 - q + _EPS)))
        out_ref[0, 0] = total / jnp.float32(n_per_side)

    return pl.pallas_call(
        body,
        out_shape=jax.ShapeDtypeStruct((1, 1), jnp.float32),
        in_specs=[pl.BlockSpec(memory_space=pltpu.VMEM)],
        out_specs=pl.BlockSpec(memory_space=pltpu.SMEM),
    )(dots2d)


def kernel(z, pos_edge_index, neg_edge_index):
    n = pos_edge_index.shape[1]
    dots = _dots_sc(z, pos_edge_index, neg_edge_index)
    loss = _loss_tc(dots.reshape(2 * n // _D, _D), n)
    return loss[0, 0]

# --- scband reference (transcript-rebuilt; emitter-appended) ---
"""Pipeline reference for scband-env-loss-5875515261642 (READ-ONLY COPY).

The authoritative reference and input builder live on the scoring server;
editing this copy changes nothing except your own understanding.
"""

import jax, jax.numpy as jnp
import numpy as np

EPS = 1e-15


def setup_inputs(seed: int = 0) -> dict:
    key = jax.random.key(seed)
    k1, k2, k3 = jax.random.split(key, 3)
    n_nodes = 10000
    d_feat = 128
    n_edges = 320000
    z = jax.random.normal(k1, (n_nodes, d_feat), dtype=jnp.float32)
    pos_edge_index = jax.random.randint(k2, (2, n_edges), 0, n_nodes, dtype=jnp.int32)
    neg_edge_index = jax.random.randint(k3, (2, n_edges), 0, n_nodes, dtype=jnp.int32)
    return {"z": z, "pos_edge_index": pos_edge_index, "neg_edge_index": neg_edge_index}


def _decoder(z, edge_index, sigmoid=True):
    # gather src/dst node embeddings, inner product per edge
    src = jnp.take(z, edge_index[0], axis=0)
    dst = jnp.take(z, edge_index[1], axis=0)
    value = jnp.sum(src * dst, axis=1)
    return jax.nn.sigmoid(value) if sigmoid else value


def reference(z, pos_edge_index, neg_edge_index):
    pos_loss = -jnp.mean(jnp.log(_decoder(z, pos_edge_index) + EPS))
    neg_loss = -jnp.mean(jnp.log(1.0 - _decoder(z, neg_edge_index) + EPS))
    return pos_loss + neg_loss

if __name__ == "__main__":
    import jax
    _d = setup_inputs()
    print(jax.jit(kernel)(*tuple(_d.values())))

</pallas_src>

<mosaic_0001>
#map = affine_map<(d0, d1) -> (0, 0)>
#map1 = affine_map<(d0, d1) -> (0)>
module attributes {stable_mosaic.version = 14 : i64} {
  func.func @dots_kernel(%arg0: i32, %arg1: i32, %arg2: memref<10000x128xf32, #tpu.memory_space<hbm>>, %arg3: memref<640000xi32, #tpu.memory_space<hbm>>, %arg4: memref<640000xi32, #tpu.memory_space<hbm>>, %arg5: memref<640000xf32, #tpu.memory_space<hbm>>, %arg6: memref<20000xi32, #tpu.memory_space<vmem>>, %arg7: memref<20000xi32, #tpu.memory_space<vmem>>, %arg8: memref<20016xf32, #tpu.memory_space<vmem>>, %arg9: memref<2x80x128xf32, #tpu.memory_space<vmem>>, %arg10: memref<2x80x128xf32, #tpu.memory_space<vmem>>, %arg11: memref<!tpu.dma_semaphore, #tpu.memory_space<semaphore_mem>>, %arg12: memref<!tpu.dma_semaphore, #tpu.memory_space<semaphore_mem>>, %arg13: memref<!tpu.dma_semaphore, #tpu.memory_space<semaphore_mem>>, %arg14: memref<!tpu.dma_semaphore, #tpu.memory_space<semaphore_mem>>) attributes {dimension_semantics = [#tpu.dimension_semantics<core_parallel>, #tpu.dimension_semantics<subcore_parallel>], iteration_bounds = array<i64: 2, 16>, scalar_prefetch = 0 : i64, scratch_operands = 9 : i64, tpu.core_type = #tpu.core_type<sc_vector_subcore>, window_params = [{transform_indices = #map}, {transform_indices = #map1}, {transform_indices = #map1}, {transform_indices = #map1}]} {
    %mul3A = arith.constant 2 : i32
    %mul3A_0 = arith.muli %arg1, %mul3A : i32
    %add3A = arith.addi %mul3A_0, %arg0 : i32
    %mul3A_1 = arith.constant 20000 : i32
    %mul3A_2 = arith.muli %add3A, %mul3A_1 : i32
    %multiple_of3A = tpu.assume_multiple %mul3A_2, 8 : i32
    %lt3A = arith.constant 16 : i32
    %lt3A_3 = arith.cmpi slt, %add3A, %lt3A : i32
    %convert_element_type3A = arith.extui %lt3A_3 : i1 to i32
    %cond3A = arith.constant 0 : i32
    %cond3A_4 = arith.cmpi ne, %convert_element_type3A, %cond3A : i32
    scf.if %cond3A_4 {
      %mul3A_36 = arith.constant 20000 : i32
      %mul3A_37 = arith.muli %add3A, %mul3A_36 : i32
      %multiple_of3A_38 = tpu.assume_multiple %mul3A_37, 8 : i32
      "tpu.region"() ({
        %run_scoped3A = tpu.sem_alloc : memref<!tpu.dma_semaphore, #tpu.memory_space<semaphore_mem>>
        %dma_start3A_41 = tpu.memref_slice %arg3[%multiple_of3A_38] : memref<640000xi32, #tpu.memory_space<hbm>> -> memref<20000xi32, #tpu.memory_space<hbm>>
        %dma_start3A_42 = tpu.memref_slice %arg3[%multiple_of3A_38] : memref<640000xi32, #tpu.memory_space<hbm>> -> memref<20000xi32, #tpu.memory_space<hbm>>
        tpu.enqueue_dma source(%dma_start3A_42 : memref<20000xi32, #tpu.memory_space<hbm>>) target(%arg6 : memref<20000xi32, #tpu.memory_space<vmem>>) target_semaphore(%run_scoped3A : memref<!tpu.dma_semaphore, #tpu.memory_space<semaphore_mem>>)
        %dma_wait3A = tpu.memref_slice %arg3[%multiple_of3A_38] : memref<640000xi32, #tpu.memory_space<hbm>> -> memref<20000xi32, #tpu.memory_space<hbm>>
        %dma_wait3A_43 = tpu.memref_slice %arg3[%multiple_of3A_38] : memref<640000xi32, #tpu.memory_space<hbm>> -> memref<20000xi32, #tpu.memory_space<hbm>>
        tpu.wait_dma2 semaphore(%run_scoped3A : memref<!tpu.dma_semaphore, #tpu.memory_space<semaphore_mem>>) src(%dma_wait3A_43 : memref<20000xi32, #tpu.memory_space<hbm>>) dst(%arg6 : memref<20000xi32, #tpu.memory_space<vmem>>)
        tpu.yield
      }) : () -> ()
      %add3A_39 = arith.constant 320000 : i32
      %add3A_40 = arith.addi %add3A_39, %multiple_of3A_38 : i32
      "tpu.region"() ({
        %run_scoped3A = tpu.sem_alloc : memref<!tpu.dma_semaphore, #tpu.memory_space<semaphore_mem>>
        %dma_start3A_41 = tpu.memref_slice %arg3[%add3A_40] : memref<640000xi32, #tpu.memory_space<hbm>> -> memref<20000xi32, #tpu.memory_space<hbm>>
        %dma_start3A_42 = tpu.memref_slice %arg3[%add3A_40] : memref<640000xi32, #tpu.memory_space<hbm>> -> memref<20000xi32, #tpu.memory_space<hbm>>
        tpu.enqueue_dma source(%dma_start3A_42 : memref<20000xi32, #tpu.memory_space<hbm>>) target(%arg7 : memref<20000xi32, #tpu.memory_space<vmem>>) target_semaphore(%run_scoped3A : memref<!tpu.dma_semaphore, #tpu.memory_space<semaphore_mem>>)
        %dma_wait3A = tpu.memref_slice %arg3[%add3A_40] : memref<640000xi32, #tpu.memory_space<hbm>> -> memref<20000xi32, #tpu.memory_space<hbm>>
        %dma_wait3A_43 = tpu.memref_slice %arg3[%add3A_40] : memref<640000xi32, #tpu.memory_space<hbm>> -> memref<20000xi32, #tpu.memory_space<hbm>>
        tpu.wait_dma2 semaphore(%run_scoped3A : memref<!tpu.dma_semaphore, #tpu.memory_space<semaphore_mem>>) src(%dma_wait3A_43 : memref<20000xi32, #tpu.memory_space<hbm>>) dst(%arg7 : memref<20000xi32, #tpu.memory_space<vmem>>)
        tpu.yield
      }) : () -> ()
    } else {
    }
    %ge3A = arith.constant 16 : i32
    %ge3A_5 = arith.cmpi sge, %add3A, %ge3A : i32
    %convert_element_type3A_6 = arith.extui %ge3A_5 : i1 to i32
    %cond3A_7 = arith.constant 0 : i32
    %cond3A_8 = arith.cmpi ne, %convert_element_type3A_6, %cond3A_7 : i32
    scf.if %cond3A_8 {
      %sub3A = arith.constant 16 : i32
      %sub3A_36 = arith.subi %add3A, %sub3A : i32
      %mul3A_37 = arith.constant 20000 : i32
      %mul3A_38 = arith.muli %sub3A_36, %mul3A_37 : i32
      %multiple_of3A_39 = tpu.assume_multiple %mul3A_38, 8 : i32
      "tpu.region"() ({
        %run_scoped3A = tpu.sem_alloc : memref<!tpu.dma_semaphore, #tpu.memory_space<semaphore_mem>>
        %dma_start3A_42 = tpu.memref_slice %arg4[%multiple_of3A_39] : memref<640000xi32, #tpu.memory_space<hbm>> -> memref<20000xi32, #tpu.memory_space<hbm>>
        %dma_start3A_43 = tpu.memref_slice %arg4[%multiple_of3A_39] : memref<640000xi32, #tpu.memory_space<hbm>> -> memref<20000xi32, #tpu.memory_space<hbm>>
        tpu.enqueue_dma source(%dma_start3A_43 : memref<20000xi32, #tpu.memory_space<hbm>>) target(%arg6 : memref<20000xi32, #tpu.memory_space<vmem>>) target_semaphore(%run_scoped3A : memref<!tpu.dma_semaphore, #tpu.memory_space<semaphore_mem>>)
        %dma_wait3A = tpu.memref_slice %arg4[%multiple_of3A_39] : memref<640000xi32, #tpu.memory_space<hbm>> -> memref<20000xi32, #tpu.memory_space<hbm>>
        %dma_wait3A_44 = tpu.memref_slice %arg4[%multiple_of3A_39] : memref<640000xi32, #tpu.memory_space<hbm>> -> memref<20000xi32, #tpu.memory_space<hbm>>
        tpu.wait_dma2 semaphore(%run_scoped3A : memref<!tpu.dma_semaphore, #tpu.memory_space<semaphore_mem>>) src(%dma_wait3A_44 : memref<20000xi32, #tpu.memory_space<hbm>>) dst(%arg6 : memref<20000xi32, #tpu.memory_space<vmem>>)
        tpu.yield
      }) : () -> ()
      %add3A_40 = arith.constant 320000 : i32
      %add3A_41 = arith.addi %add3A_40, %multiple_of3A_39 : i32
      "tpu.region"() ({
        %run_scoped3A = tpu.sem_alloc : memref<!tpu.dma_semaphore, #tpu.memory_space<semaphore_mem>>
        %dma_start3A_42 = tpu.memref_slice %arg4[%add3A_41] : memref<640000xi32, #tpu.memory_space<hbm>> -> memref<20000xi32, #tpu.memory_space<hbm>>
        %dma_start3A_43 = tpu.memref_slice %arg4[%add3A_41] : memref<640000xi32, #tpu.memory_space<hbm>> -> memref<20000xi32, #tpu.memory_space<hbm>>
        tpu.enqueue_dma source(%dma_start3A_43 : memref<20000xi32, #tpu.memory_space<hbm>>) target(%arg7 : memref<20000xi32, #tpu.memory_space<vmem>>) target_semaphore(%run_scoped3A : memref<!tpu.dma_semaphore, #tpu.memory_space<semaphore_mem>>)
        %dma_wait3A = tpu.memref_slice %arg4[%add3A_41] : memref<640000xi32, #tpu.memory_space<hbm>> -> memref<20000xi32, #tpu.memory_space<hbm>>
        %dma_wait3A_44 = tpu.memref_slice %arg4[%add3A_41] : memref<640000xi32, #tpu.memory_space<hbm>> -> memref<20000xi32, #tpu.memory_space<hbm>>
        tpu.wait_dma2 semaphore(%run_scoped3A : memref<!tpu.dma_semaphore, #tpu.memory_space<semaphore_mem>>) src(%dma_wait3A_44 : memref<20000xi32, #tpu.memory_space<hbm>>) dst(%arg7 : memref<20000xi32, #tpu.memory_space<vmem>>)
        tpu.yield
      }) : () -> ()
    } else {
    }
    %iota3A = tpu.iota {dimensions = array<i32: 0>} : vector<16xi32>
    %eq3A = arith.constant 0 : i32
    %eq3A_9 = vector.broadcast %eq3A : i32 to vector<16xi32>
    %eq3A_10 = arith.cmpi eq, %iota3A, %eq3A_9 : vector<16xi32>
    %multiple_of3A_11 = arith.constant 0 : i32
    %multiple_of3A_12 = tpu.assume_multiple %multiple_of3A_11, 8 : i32
    %dma_start3A = arith.constant 0 : i32
    %dma_start3A_13 = arith.constant 0 : i32
    %dma_start3A_14 = arith.constant 0 : i32
    %dma_start3A_15 = tpu.memref_slice %arg9[%dma_start3A, %dma_start3A_13, %dma_start3A_14] : memref<2x80x128xf32, #tpu.memory_space<vmem>> -> memref<1x80x128xf32, #tpu.memory_space<vmem>>
    %dma_start3A_16 = tpu.memref_squeeze %dma_start3A_15 : memref<1x80x128xf32, #tpu.memory_space<vmem>> -> memref<80x128xf32, #tpu.memory_space<vmem>>
    %dma_start3A_17 = tpu.memref_slice %arg6[%multiple_of3A_12] : memref<20000xi32, #tpu.memory_space<vmem>> -> memref<80xi32, #tpu.memory_space<vmem>>
    %dma_start3A_18 = arith.constant 0 : i32
    %dma_start3A_19 = arith.constant 0 : i32
    %dma_start3A_20 = tpu.memref_slice %arg2[%dma_start3A_18, %dma_start3A_19] : memref<10000x128xf32, #tpu.memory_space<hbm>> -> memref<10000x128xf32, #tpu.memory_space<hbm>>
    tpu.enqueue_indirect_dma source(%dma_start3A_20 : memref<10000x128xf32, #tpu.memory_space<hbm>>) target(%dma_start3A_16 : memref<80x128xf32, #tpu.memory_space<vmem>>) offsets(%dma_start3A_17 : memref<80xi32, #tpu.memory_space<vmem>>) semaphore(%arg11 : memref<!tpu.dma_semaphore, #tpu.memory_space<semaphore_mem>>)
    %dma_start3A_21 = arith.constant 0 : i32
    %dma_start3A_22 = arith.constant 0 : i32
    %dma_start3A_23 = arith.constant 0 : i32
    %dma_start3A_24 = tpu.memref_slice %arg10[%dma_start3A_21, %dma_start3A_22, %dma_start3A_23] : memref<2x80x128xf32, #tpu.memory_space<vmem>> -> memref<1x80x128xf32, #tpu.memory_space<vmem>>
    %dma_start3A_25 = tpu.memref_squeeze %dma_start3A_24 : memref<1x80x128xf32, #tpu.memory_space<vmem>> -> memref<80x128xf32, #tpu.memory_space<vmem>>
    %dma_start3A_26 = tpu.memref_slice %arg7[%multiple_of3A_12] : memref<20000xi32, #tpu.memory_space<vmem>> -> memref<80xi32, #tpu.memory_space<vmem>>
    %dma_start3A_27 = arith.constant 0 : i32
    %dma_start3A_28 = arith.constant 0 : i32
    %dma_start3A_29 = tpu.memref_slice %arg2[%dma_start3A_27, %dma_start3A_28] : memref<10000x128xf32, #tpu.memory_space<hbm>> -> memref<10000x128xf32, #tpu.memory_space<hbm>>
    tpu.enqueue_indirect_dma source(%dma_start3A_29 : memref<10000x128xf32, #tpu.memory_space<hbm>>) target(%dma_start3A_25 : memref<80x128xf32, #tpu.memory_space<vmem>>) offsets(%dma_start3A_26 : memref<80xi32, #tpu.memory_space<vmem>>) semaphore(%arg12 : memref<!tpu.dma_semaphore, #tpu.memory_space<semaphore_mem>>)
    %scan3A = arith.constant 0 : i32
    %scan3A_30 = arith.constant 0 : i32
    %scan3A_31 = arith.constant 125 : i32
    %scan3A_32 = arith.addi %scan3A_30, %scan3A_31 : i32
    %scan3A_33 = arith.constant 1 : i32
    %scan3A_34 = scf.for %scan3A_36 = %scan3A_30 to %scan3A_32 step %scan3A_33 iter_args(%scan3A_37 = %scan3A) -> (i32)  : i32 {
      %mul3A_38 = arith.constant 2 : i32
      %mul3A_39 = arith.muli %mul3A_38, %scan3A_36 : i32
      %add3A_40 = arith.constant 1 : i32
      %add3A_41 = arith.addi %mul3A_39, %add3A_40 : i32
      %mul3A_42 = arith.constant 80 : i32
      %mul3A_43 = arith.muli %add3A_41, %mul3A_42 : i32
      %multiple_of3A_44 = tpu.assume_multiple %mul3A_43, 8 : i32
      %dma_start3A_45 = arith.constant 1 : i32
      %dma_start3A_46 = arith.constant 0 : i32
      %dma_start3A_47 = arith.constant 0 : i32
      %dma_start3A_48 = tpu.memref_slice %arg9[%dma_start3A_45, %dma_start3A_46, %dma_start3A_47] : memref<2x80x128xf32, #tpu.memory_space<vmem>> -> memref<1x80x128xf32, #tpu.memory_space<vmem>>
      %dma_start3A_49 = tpu.memref_squeeze %dma_start3A_48 : memref<1x80x128xf32, #tpu.memory_space<vmem>> -> memref<80x128xf32, #tpu.memory_space<vmem>>
      %dma_start3A_50 = tpu.memref_slice %arg6[%multiple_of3A_44] : memref<20000xi32, #tpu.memory_space<vmem>> -> memref<80xi32, #tpu.memory_space<vmem>>
      %dma_start3A_51 = arith.constant 0 : i32
      %dma_start3A_52 = arith.constant 0 : i32
      %dma_start3A_53 = tpu.memref_slice %arg2[%dma_start3A_51, %dma_start3A_52] : memref<10000x128xf32, #tpu.memory_space<hbm>> -> memref<10000x128xf32, #tpu.memory_space<hbm>>
      tpu.enqueue_indirect_dma source(%dma_start3A_53 : memref<10000x128xf32, #tpu.memory_space<hbm>>) target(%dma_start3A_49 : memref<80x128xf32, #tpu.memory_space<vmem>>) offsets(%dma_start3A_50 : memref<80xi32, #tpu.memory_space<vmem>>) semaphore(%arg13 : memref<!tpu.dma_semaphore, #tpu.memory_space<semaphore_mem>>)
      %dma_start3A_54 = arith.constant 1 : i32
      %dma_start3A_55 = arith.constant 0 : i32
      %dma_start3A_56 = arith.constant 0 : i32
      %dma_start3A_57 = tpu.memref_slice %arg10[%dma_start3A_54, %dma_start3A_55, %dma_start3A_56] : memref<2x80x128xf32, #tpu.memory_space<vmem>> -> memref<1x80x128xf32, #tpu.memory_space<vmem>>
      %dma_start3A_58 = tpu.memref_squeeze %dma_start3A_57 : memref<1x80x128xf32, #tpu.memory_space<vmem>> -> memref<80x128xf32, #tpu.memory_space<vmem>>
      %dma_start3A_59 = tpu.memref_slice %arg7[%multiple_of3A_44] : memref<20000xi32, #tpu.memory_space<vmem>> -> memref<80xi32, #tpu.memory_space<vmem>>
      %dma_start3A_60 = arith.constant 0 : i32
      %dma_start3A_61 = arith.constant 0 : i32
      %dma_start3A_62 = tpu.memref_slice %arg2[%dma_start3A_60, %dma_start3A_61] : memref<10000x128xf32, #tpu.memory_space<hbm>> -> memref<10000x128xf32, #tpu.memory_space<hbm>>
      tpu.enqueue_indirect_dma source(%dma_start3A_62 : memref<10000x128xf32, #tpu.memory_space<hbm>>) target(%dma_start3A_58 : memref<80x128xf32, #tpu.memory_space<vmem>>) offsets(%dma_start3A_59 : memref<80xi32, #tpu.memory_space<vmem>>) semaphore(%arg14 : memref<!tpu.dma_semaphore, #tpu.memory_space<semaphore_mem>>)
      %mul3A_63 = arith.constant 80 : i32
      %mul3A_64 = arith.muli %mul3A_39, %mul3A_63 : i32
      %multiple_of3A_65 = tpu.assume_multiple %mul3A_64, 8 : i32
      %dma_wait3A = arith.constant 0 : i32
      %dma_wait3A_66 = arith.constant 0 : i32
      %dma_wait3A_67 = arith.constant 0 : i32
      %dma_wait3A_68 = tpu.memref_slice %arg9[%dma_wait3A, %dma_wait3A_66, %dma_wait3A_67] : memref<2x80x128xf32, #tpu.memory_space<vmem>> -> memref<1x80x128xf32, #tpu.memory_space<vmem>>
      %dma_wait3A_69 = tpu.memref_squeeze %dma_wait3A_68 : memref<1x80x128xf32, #tpu.memory_space<vmem>> -> memref<80x128xf32, #tpu.memory_space<vmem>>
      %dma_wait3A_70 = tpu.memref_slice %arg6[%multiple_of3A_65] : memref<20000xi32, #tpu.memory_space<vmem>> -> memref<80xi32, #tpu.memory_space<vmem>>
      %dma_wait3A_71 = arith.constant 0 : i32
      %dma_wait3A_72 = arith.constant 0 : i32
      %dma_wait3A_73 = tpu.memref_slice %arg2[%dma_wait3A_71, %dma_wait3A_72] : memref<10000x128xf32, #tpu.memory_space<hbm>> -> memref<10000x128xf32, #tpu.memory_space<hbm>>
      tpu.wait_indirect_dma semaphore(%arg11 : memref<!tpu.dma_semaphore, #tpu.memory_space<semaphore_mem>>) src(%dma_wait3A_73 : memref<10000x128xf32, #tpu.memory_space<hbm>>) dst(%dma_wait3A_69 : memref<80x128xf32, #tpu.memory_space<vmem>>)
      %dma_wait3A_74 = arith.constant 0 : i32
      %dma_wait3A_75 = arith.constant 0 : i32
      %dma_wait3A_76 = arith.constant 0 : i32
      %dma_wait3A_77 = tpu.memref_slice %arg10[%dma_wait3A_74, %dma_wait3A_75, %dma_wait3A_76] : memref<2x80x128xf32, #tpu.memory_space<vmem>> -> memref<1x80x128xf32, #tpu.memory_space<vmem>>
      %dma_wait3A_78 = tpu.memref_squeeze %dma_wait3A_77 : memref<1x80x128xf32, #tpu.memory_space<vmem>> -> memref<80x128xf32, #tpu.memory_space<vmem>>
      %dma_wait3A_79 = tpu.memref_slice %arg7[%multiple_of3A_65] : memref<20000xi32, #tpu.memory_space<vmem>> -> memref<80xi32, #tpu.memory_space<vmem>>
      %dma_wait3A_80 = arith.constant 0 : i32
      %dma_wait3A_81 = arith.constant 0 : i32
      %dma_wait3A_82 = tpu.memref_slice %arg2[%dma_wait3A_80, %dma_wait3A_81] : memref<10000x128xf32, #tpu.memory_space<hbm>> -> memref<10000x128xf32, #tpu.memory_space<hbm>>
      tpu.wait_indirect_dma semaphore(%arg12 : memref<!tpu.dma_semaphore, #tpu.memory_space<semaphore_mem>>) src(%dma_wait3A_82 : memref<10000x128xf32, #tpu.memory_space<hbm>>) dst(%dma_wait3A_78 : memref<80x128xf32, #tpu.memory_space<vmem>>)
      %mul3A_83 = arith.constant 80 : i32
      %mul3A_84 = arith.muli %mul3A_39, %mul3A_83 : i32
      %parallel_loop3A = arith.constant 0 : i32
      %parallel_loop3A_85 = arith.constant 80 : i32
      %parallel_loop3A_86 = arith.constant 1 : i32
      %parallel_loop3A_87 = arith.constant 0 : i32
      %parallel_loop3A_88 = arith.constant 0 : i32
      scf.for %parallel_loop3A_129 = %parallel_loop3A to %parallel_loop3A_85 step %parallel_loop3A_86  : i32 {
        %parallel_loop3A_130 = arith.constant 0 : i32
        %parallel_loop3A_131 = arith.constant 0 : i32
        %parallel_loop3A_132 = tpu.memref_slice %arg9[%parallel_loop3A_87, %parallel_loop3A_130, %parallel_loop3A_131] : memref<2x80x128xf32, #tpu.memory_space<vmem>> -> memref<1x80x128xf32, #tpu.memory_space<vmem>>
        %parallel_loop3A_133 = tpu.memref_squeeze %parallel_loop3A_132 : memref<1x80x128xf32, #tpu.memory_space<vmem>> -> memref<80x128xf32, #tpu.memory_space<vmem>>
        %parallel_loop3A_134 = arith.index_cast %parallel_loop3A_129 : i32 to index
        %parallel_loop3A_135 = arith.constant 0 : index
        %parallel_loop3A_136 = tpu.vector_load %parallel_loop3A_133[%parallel_loop3A_134, %parallel_loop3A_135] {strides = array<i32>} : memref<80x128xf32, #tpu.memory_space<vmem>>, vector<16xf32>,
        %parallel_loop3A_137 = arith.constant 0 : i32
        %parallel_loop3A_138 = arith.constant 0 : i32
        %parallel_loop3A_139 = tpu.memref_slice %arg10[%parallel_loop3A_88, %parallel_loop3A_137, %parallel_loop3A_138] : memref<2x80x128xf32, #tpu.memory_space<vmem>> -> memref<1x80x128xf32, #tpu.memory_space<vmem>>
        %parallel_loop3A_140 = tpu.memref_squeeze %parallel_loop3A_139 : memref<1x80x128xf32, #tpu.memory_space<vmem>> -> memref<80x128xf32, #tpu.memory_space<vmem>>
        %parallel_loop3A_141 = arith.index_cast %parallel_loop3A_129 : i32 to index
        %parallel_loop3A_142 = arith.constant 0 : index
        %parallel_loop3A_143 = tpu.vector_load %parallel_loop3A_140[%parallel_loop3A_141, %parallel_loop3A_142] {strides = array<i32>} : memref<80x128xf32, #tpu.memory_space<vmem>>, vector<16xf32>,
        %parallel_loop3A_144 = arith.mulf %parallel_loop3A_136, %parallel_loop3A_143 : vector<16xf32>
        %parallel_loop3A_145 = arith.constant 0 : i32
        %parallel_loop3A_146 = arith.constant 0 : i32
        %parallel_loop3A_147 = tpu.memref_slice %arg9[%parallel_loop3A_87, %parallel_loop3A_145, %parallel_loop3A_146] : memref<2x80x128xf32, #tpu.memory_space<vmem>> -> memref<1x80x128xf32, #tpu.memory_space<vmem>>
        %parallel_loop3A_148 = tpu.memref_squeeze %parallel_loop3A_147 : memref<1x80x128xf32, #tpu.memory_space<vmem>> -> memref<80x128xf32, #tpu.memory_space<vmem>>
        %parallel_loop3A_149 = arith.index_cast %parallel_loop3A_129 : i32 to index
        %parallel_loop3A_150 = arith.constant 16 : index
        %parallel_loop3A_151 = tpu.vector_load %parallel_loop3A_148[%parallel_loop3A_149, %parallel_loop3A_150] {strides = array<i32>} : memref<80x128xf32, #tpu.memory_space<vmem>>, vector<16xf32>,
        %parallel_loop3A_152 = arith.constant 0 : i32
        %parallel_loop3A_153 = arith.constant 0 : i32
        %parallel_loop3A_154 = tpu.memref_slice %arg10[%parallel_loop3A_88, %parallel_loop3A_152, %parallel_loop3A_153] : memref<2x80x128xf32, #tpu.memory_space<vmem>> -> memref<1x80x128xf32, #tpu.memory_space<vmem>>
        %parallel_loop3A_155 = tpu.memref_squeeze %parallel_loop3A_154 : memref<1x80x128xf32, #tpu.memory_space<vmem>> -> memref<80x128xf32, #tpu.memory_space<vmem>>
        %parallel_loop3A_156 = arith.index_cast %parallel_loop3A_129 : i32 to index
        %parallel_loop3A_157 = arith.constant 16 : index
        %parallel_loop3A_158 = tpu.vector_load %parallel_loop3A_155[%parallel_loop3A_156, %parallel_loop3A_157] {strides = array<i32>} : memref<80x128xf32, #tpu.memory_space<vmem>>, vector<16xf32>,
        %parallel_loop3A_159 = arith.mulf %parallel_loop3A_151, %parallel_loop3A_158 : vector<16xf32>
        %parallel_loop3A_160 = arith.constant 0 : i32
        %parallel_loop3A_161 = arith.constant 0 : i32
        %parallel_loop3A_162 = tpu.memref_slice %arg9[%parallel_loop3A_87, %parallel_loop3A_160, %parallel_loop3A_161] : memref<2x80x128xf32, #tpu.memory_space<vmem>> -> memref<1x80x128xf32, #tpu.memory_space<vmem>>
        %parallel_loop3A_163 = tpu.memref_squeeze %parallel_loop3A_162 : memref<1x80x128xf32, #tpu.memory_space<vmem>> -> memref<80x128xf32, #tpu.memory_space<vmem>>
        %parallel_loop3A_164 = arith.index_cast %parallel_loop3A_129 : i32 to index
        %parallel_loop3A_165 = arith.constant 32 : index
        %parallel_loop3A_166 = tpu.vector_load %parallel_loop3A_163[%parallel_loop3A_164, %parallel_loop3A_165] {strides = array<i32>} : memref<80x128xf32, #tpu.memory_space<vmem>>, vector<16xf32>,
        %parallel_loop3A_167 = arith.constant 0 : i32
        %parallel_loop3A_168 = arith.constant 0 : i32
        %parallel_loop3A_169 = tpu.memref_slice %arg10[%parallel_loop3A_88, %parallel_loop3A_167, %parallel_loop3A_168] : memref<2x80x128xf32, #tpu.memory_space<vmem>> -> memref<1x80x128xf32, #tpu.memory_space<vmem>>
        %parallel_loop3A_170 = tpu.memref_squeeze %parallel_loop3A_169 : memref<1x80x128xf32, #tpu.memory_space<vmem>> -> memref<80x128xf32, #tpu.memory_space<vmem>>
        %parallel_loop3A_171 = arith.index_cast %parallel_loop3A_129 : i32 to index
        %parallel_loop3A_172 = arith.constant 32 : index
        %parallel_loop3A_173 = tpu.vector_load %parallel_loop3A_170[%parallel_loop3A_171, %parallel_loop3A_172] {strides = array<i32>} : memref<80x128xf32, #tpu.memory_space<vmem>>, vector<16xf32>,
        %parallel_loop3A_174 = arith.mulf %parallel_loop3A_166, %parallel_loop3A_173 : vector<16xf32>
        %parallel_loop3A_175 = arith.addf %parallel_loop3A_144, %parallel_loop3A_174 : vector<16xf32>
        %parallel_loop3A_176 = arith.constant 0 : i32
        %parallel_loop3A_177 = arith.constant 0 : i32
        %parallel_loop3A_178 = tpu.memref_slice %arg9[%parallel_loop3A_87, %parallel_loop3A_176, %parallel_loop3A_177] : memref<2x80x128xf32, #tpu.memory_space<vmem>> -> memref<1x80x128xf32, #tpu.memory_space<vmem>>
        %parallel_loop3A_179 = tpu.memref_squeeze %parallel_loop3A_178 : memref<1x80x128xf32, #tpu.memory_space<vmem>> -> memref<80x128xf32, #tpu.memory_space<vmem>>
        %parallel_loop3A_180 = arith.index_cast %parallel_loop3A_129 : i32 to index
        %parallel_loop3A_181 = arith.constant 48 : index
        %parallel_loop3A_182 = tpu.vector_load %parallel_loop3A_179[%parallel_loop3A_180, %parallel_loop3A_181] {strides = array<i32>} : memref<80x128xf32, #tpu.memory_space<vmem>>, vector<16xf32>,
        %parallel_loop3A_183 = arith.constant 0 : i32
        %parallel_loop3A_184 = arith.constant 0 : i32
        %parallel_loop3A_185 = tpu.memref_slice %arg10[%parallel_loop3A_88, %parallel_loop3A_183, %parallel_loop3A_184] : memref<2x80x128xf32, #tpu.memory_space<vmem>> -> memref<1x80x128xf32, #tpu.memory_space<vmem>>
        %parallel_loop3A_186 = tpu.memref_squeeze %parallel_loop3A_185 : memref<1x80x128xf32, #tpu.memory_space<vmem>> -> memref<80x128xf32, #tpu.memory_space<vmem>>
        %parallel_loop3A_187 = arith.index_cast %parallel_loop3A_129 : i32 to index
        %parallel_loop3A_188 = arith.constant 48 : index
        %parallel_loop3A_189 = tpu.vector_load %parallel_loop3A_186[%parallel_loop3A_187, %parallel_loop3A_188] {strides = array<i32>} : memref<80x128xf32, #tpu.memory_space<vmem>>, vector<16xf32>,
        %parallel_loop3A_190 = arith.mulf %parallel_loop3A_182, %parallel_loop3A_189 : vector<16xf32>
        %parallel_loop3A_191 = arith.addf %parallel_loop3A_159, %parallel_loop3A_190 : vector<16xf32>
        %parallel_loop3A_192 = arith.constant 0 : i32
        %parallel_loop3A_193 = arith.constant 0 : i32
        %parallel_loop3A_194 = tpu.memref_slice %arg9[%parallel_loop3A_87, %parallel_loop3A_192, %parallel_loop3A_193] : memref<2x80x128xf32, #tpu.memory_space<vmem>> -> memref<1x80x128xf32, #tpu.memory_space<vmem>>
        %parallel_loop3A_195 = tpu.memref_squeeze %parallel_loop3A_194 : memref<1x80x128xf32, #tpu.memory_space<vmem>> -> memref<80x128xf32, #tpu.memory_space<vmem>>
        %parallel_loop3A_196 = arith.index_cast %parallel_loop3A_129 : i32 to index
        %parallel_loop3A_197 = arith.constant 64 : index
        %parallel_loop3A_198 = tpu.vector_load %parallel_loop3A_195[%parallel_loop3A_196, %parallel_loop3A_197] {strides = array<i32>} : memref<80x128xf32, #tpu.memory_space<vmem>>, vector<16xf32>,
        %parallel_loop3A_199 = arith.constant 0 : i32
        %parallel_loop3A_200 = arith.constant 0 : i32
        %parallel_loop3A_201 = tpu.memref_slice %arg10[%parallel_loop3A_88, %parallel_loop3A_199, %parallel_loop3A_200] : memref<2x80x128xf32, #tpu.memory_space<vmem>> -> memref<1x80x128xf32, #tpu.memory_space<vmem>>
        %parallel_loop3A_202 = tpu.memref_squeeze %parallel_loop3A_201 : memref<1x80x128xf32, #tpu.memory_space<vmem>> -> memref<80x128xf32, #tpu.memory_space<vmem>>
        %parallel_loop3A_203 = arith.index_cast %parallel_loop3A_129 : i32 to index
        %parallel_loop3A_204 = arith.constant 64 : index
        %parallel_loop3A_205 = tpu.vector_load %parallel_loop3A_202[%parallel_loop3A_203, %parallel_loop3A_204] {strides = array<i32>} : memref<80x128xf32, #tpu.memory_space<vmem>>, vector<16xf32>,
        %parallel_loop3A_206 = arith.mulf %parallel_loop3A_198, %parallel_loop3A_205 : vector<16xf32>
        %parallel_loop3A_207 = arith.addf %parallel_loop3A_175, %parallel_loop3A_206 : vector<16xf32>
        %parallel_loop3A_208 = arith.constant 0 : i32
        %parallel_loop3A_209 = arith.constant 0 : i32
        %parallel_loop3A_210 = tpu.memref_slice %arg9[%parallel_loop3A_87, %parallel_loop3A_208, %parallel_loop3A_209] : memref<2x80x128xf32, #tpu.memory_space<vmem>> -> memref<1x80x128xf32, #tpu.memory_space<vmem>>
        %parallel_loop3A_211 = tpu.memref_squeeze %parallel_loop3A_210 : memref<1x80x128xf32, #tpu.memory_space<vmem>> -> memref<80x128xf32, #tpu.memory_space<vmem>>
        %parallel_loop3A_212 = arith.index_cast %parallel_loop3A_129 : i32 to index
        %parallel_loop3A_213 = arith.constant 80 : index
        %parallel_loop3A_214 = tpu.vector_load %parallel_loop3A_211[%parallel_loop3A_212, %parallel_loop3A_213] {strides = array<i32>} : memref<80x128xf32, #tpu.memory_space<vmem>>, vector<16xf32>,
        %parallel_loop3A_215 = arith.constant 0 : i32
        %parallel_loop3A_216 = arith.constant 0 : i32
        %parallel_loop3A_217 = tpu.memref_slice %arg10[%parallel_loop3A_88, %parallel_loop3A_215, %parallel_loop3A_216] : memref<2x80x128xf32, #tpu.memory_space<vmem>> -> memref<1x80x128xf32, #tpu.memory_space<vmem>>
        %parallel_loop3A_218 = tpu.memref_squeeze %parallel_loop3A_217 : memref<1x80x128xf32, #tpu.memory_space<vmem>> -> memref<80x128xf32, #tpu.memory_space<vmem>>
        %parallel_loop3A_219 = arith.index_cast %parallel_loop3A_129 : i32 to index
        %parallel_loop3A_220 = arith.constant 80 : index
        %parallel_loop3A_221 = tpu.vector_load %parallel_loop3A_218[%parallel_loop3A_219, %parallel_loop3A_220] {strides = array<i32>} : memref<80x128xf32, #tpu.memory_space<vmem>>, vector<16xf32>,
        %parallel_loop3A_222 = arith.mulf %parallel_loop3A_214, %parallel_loop3A_221 : vector<16xf32>
        %parallel_loop3A_223 = arith.addf %parallel_loop3A_191, %parallel_loop3A_222 : vector<16xf32>
        %parallel_loop3A_224 = arith.constant 0 : i32
        %parallel_loop3A_225 = arith.constant 0 : i32
        %parallel_loop3A_226 = tpu.memref_slice %arg9[%parallel_loop3A_87, %parallel_loop3A_224, %parallel_loop3A_225] : memref<2x80x128xf32, #tpu.memory_space<vmem>> -> memref<1x80x128xf32, #tpu.memory_space<vmem>>
        %parallel_loop3A_227 = tpu.memref_squeeze %parallel_loop3A_226 : memref<1x80x128xf32, #tpu.memory_space<vmem>> -> memref<80x128xf32, #tpu.memory_space<vmem>>
        %parallel_loop3A_228 = arith.index_cast %parallel_loop3A_129 : i32 to index
        %parallel_loop3A_229 = arith.constant 96 : index
        %parallel_loop3A_230 = tpu.vector_load %parallel_loop3A_227[%parallel_loop3A_228, %parallel_loop3A_229] {strides = array<i32>} : memref<80x128xf32, #tpu.memory_space<vmem>>, vector<16xf32>,
        %parallel_loop3A_231 = arith.constant 0 : i32
        %parallel_loop3A_232 = arith.constant 0 : i32
        %parallel_loop3A_233 = tpu.memref_slice %arg10[%parallel_loop3A_88, %parallel_loop3A_231, %parallel_loop3A_232] : memref<2x80x128xf32, #tpu.memory_space<vmem>> -> memref<1x80x128xf32, #tpu.memory_space<vmem>>
        %parallel_loop3A_234 = tpu.memref_squeeze %parallel_loop3A_233 : memref<1x80x128xf32, #tpu.memory_space<vmem>> -> memref<80x128xf32, #tpu.memory_space<vmem>>
        %parallel_loop3A_235 = arith.index_cast %parallel_loop3A_129 : i32 to index
        %parallel_loop3A_236 = arith.constant 96 : index
        %parallel_loop3A_237 = tpu.vector_load %parallel_loop3A_234[%parallel_loop3A_235, %parallel_loop3A_236] {strides = array<i32>} : memref<80x128xf32, #tpu.memory_space<vmem>>, vector<16xf32>,
        %parallel_loop3A_238 = arith.mulf %parallel_loop3A_230, %parallel_loop3A_237 : vector<16xf32>
        %parallel_loop3A_239 = arith.addf %parallel_loop3A_207, %parallel_loop3A_238 : vector<16xf32>
        %parallel_loop3A_240 = arith.constant 0 : i32
        %parallel_loop3A_241 = arith.constant 0 : i32
        %parallel_loop3A_242 = tpu.memref_slice %arg9[%parallel_loop3A_87, %parallel_loop3A_240, %parallel_loop3A_241] : memref<2x80x128xf32, #tpu.memory_space<vmem>> -> memref<1x80x128xf32, #tpu.memory_space<vmem>>
        %parallel_loop3A_243 = tpu.memref_squeeze %parallel_loop3A_242 : memref<1x80x128xf32, #tpu.memory_space<vmem>> -> memref<80x128xf32, #tpu.memory_space<vmem>>
        %parallel_loop3A_244 = arith.index_cast %parallel_loop3A_129 : i32 to index
        %parallel_loop3A_245 = arith.constant 112 : index
        %parallel_loop3A_246 = tpu.vector_load %parallel_loop3A_243[%parallel_loop3A_244, %parallel_loop3A_245] {strides = array<i32>} : memref<80x128xf32, #tpu.memory_space<vmem>>, vector<16xf32>,
        %parallel_loop3A_247 = arith.constant 0 : i32
        %parallel_loop3A_248 = arith.constant 0 : i32
        %parallel_loop3A_249 = tpu.memref_slice %arg10[%parallel_loop3A_88, %parallel_loop3A_247, %parallel_loop3A_248] : memref<2x80x128xf32, #tpu.memory_space<vmem>> -> memref<1x80x128xf32, #tpu.memory_space<vmem>>
        %parallel_loop3A_250 = tpu.memref_squeeze %parallel_loop3A_249 : memref<1x80x128xf32, #tpu.memory_space<vmem>> -> memref<80x128xf32, #tpu.memory_space<vmem>>
        %parallel_loop3A_251 = arith.index_cast %parallel_loop3A_129 : i32 to index
        %parallel_loop3A_252 = arith.constant 112 : index
        %parallel_loop3A_253 = tpu.vector_load %parallel_loop3A_250[%parallel_loop3A_251, %parallel_loop3A_252] {strides = array<i32>} : memref<80x128xf32, #tpu.memory_space<vmem>>, vector<16xf32>,
        %parallel_loop3A_254 = arith.mulf %parallel_loop3A_246, %parallel_loop3A_253 : vector<16xf32>
        %parallel_loop3A_255 = arith.addf %parallel_loop3A_223, %parallel_loop3A_254 : vector<16xf32>
        %parallel_loop3A_256 = arith.addf %parallel_loop3A_239, %parallel_loop3A_255 : vector<16xf32>
        %parallel_loop3A_257 = arith.constant 8 : i32
        %parallel_loop3A_258 = vector.broadcast %parallel_loop3A_257 : i32 to vector<16xi32>
        %parallel_loop3A_259 = arith.xori %iota3A, %parallel_loop3A_258 : vector<16xi32>
        %parallel_loop3A_260 = arith.constant 0 : i32
        %parallel_loop3A_261 = vector.broadcast %parallel_loop3A_260 : i32 to vector<16xi32>
        %parallel_loop3A_262 = arith.cmpi slt, %parallel_loop3A_259, %parallel_loop3A_261 : vector<16xi32>
        %parallel_loop3A_263 = arith.constant 16 : i32
        %parallel_loop3A_264 = vector.broadcast %parallel_loop3A_263 : i32 to vector<16xi32>
        %parallel_loop3A_265 = arith.addi %parallel_loop3A_259, %parallel_loop3A_264 : vector<16xi32>
        %parallel_loop3A_266 = arith.select %parallel_loop3A_262, %parallel_loop3A_265, %parallel_loop3A_259 : vector<16xi1>, vector<16xi32>
        %parallel_loop3A_267 = vector.shape_cast %parallel_loop3A_266 : vector<16xi32> to vector<16x1xi32>
        %parallel_loop3A_268 = vector.shape_cast %parallel_loop3A_267 : vector<16x1xi32> to vector<16xi32>
        %parallel_loop3A_269 = tpu.dynamic_gather %parallel_loop3A_256[%parallel_loop3A_268] in [0] : vector<16xf32>, vector<16xi32> -> vector<16xf32>
        %parallel_loop3A_270 = arith.addf %parallel_loop3A_256, %parallel_loop3A_269 : vector<16xf32>
        %parallel_loop3A_271 = arith.constant 4 : i32
        %parallel_loop3A_272 = vector.broadcast %parallel_loop3A_271 : i32 to vector<16xi32>
        %parallel_loop3A_273 = arith.xori %iota3A, %parallel_loop3A_272 : vector<16xi32>
        %parallel_loop3A_274 = arith.constant 0 : i32
        %parallel_loop3A_275 = vector.broadcast %parallel_loop3A_274 : i32 to vector<16xi32>
        %parallel_loop3A_276 = arith.cmpi slt, %parallel_loop3A_273, %parallel_loop3A_275 : vector<16xi32>
        %parallel_loop3A_277 = arith.constant 16 : i32
        %parallel_loop3A_278 = vector.broadcast %parallel_loop3A_277 : i32 to vector<16xi32>
        %parallel_loop3A_279 = arith.addi %parallel_loop3A_273, %parallel_loop3A_278 : vector<16xi32>
        %parallel_loop3A_280 = arith.select %parallel_loop3A_276, %parallel_loop3A_279, %parallel_loop3A_273 : vector<16xi1>, vector<16xi32>
        %parallel_loop3A_281 = vector.shape_cast %parallel_loop3A_280 : vector<16xi32> to vector<16x1xi32>
        %parallel_loop3A_282 = vector.shape_cast %parallel_loop3A_281 : vector<16x1xi32> to vector<16xi32>
        %parallel_loop3A_283 = tpu.dynamic_gather %parallel_loop3A_270[%parallel_loop3A_282] in [0] : vector<16xf32>, vector<16xi32> -> vector<16xf32>
        %parallel_loop3A_284 = arith.addf %parallel_loop3A_270, %parallel_loop3A_283 : vector<16xf32>
        %parallel_loop3A_285 = arith.constant 2 : i32
        %parallel_loop3A_286 = vector.broadcast %parallel_loop3A_285 : i32 to vector<16xi32>
        %parallel_loop3A_287 = arith.xori %iota3A, %parallel_loop3A_286 : vector<16xi32>
        %parallel_loop3A_288 = arith.constant 0 : i32
        %parallel_loop3A_289 = vector.broadcast %parallel_loop3A_288 : i32 to vector<16xi32>
        %parallel_loop3A_290 = arith.cmpi slt, %parallel_loop3A_287, %parallel_loop3A_289 : vector<16xi32>
        %parallel_loop3A_291 = arith.constant 16 : i32
        %parallel_loop3A_292 = vector.broadcast %parallel_loop3A_291 : i32 to vector<16xi32>
        %parallel_loop3A_293 = arith.addi %parallel_loop3A_287, %parallel_loop3A_292 : vector<16xi32>
        %parallel_loop3A_294 = arith.select %parallel_loop3A_290, %parallel_loop3A_293, %parallel_loop3A_287 : vector<16xi1>, vector<16xi32>
        %parallel_loop3A_295 = vector.shape_cast %parallel_loop3A_294 : vector<16xi32> to vector<16x1xi32>
        %parallel_loop3A_296 = vector.shape_cast %parallel_loop3A_295 : vector<16x1xi32> to vector<16xi32>
        %parallel_loop3A_297 = tpu.dynamic_gather %parallel_loop3A_284[%parallel_loop3A_296] in [0] : vector<16xf32>, vector<16xi32> -> vector<16xf32>
        %parallel_loop3A_298 = arith.addf %parallel_loop3A_284, %parallel_loop3A_297 : vector<16xf32>
        %parallel_loop3A_299 = arith.constant 1 : i32
        %parallel_loop3A_300 = vector.broadcast %parallel_loop3A_299 : i32 to vector<16xi32>
        %parallel_loop3A_301 = arith.xori %iota3A, %parallel_loop3A_300 : vector<16xi32>
        %parallel_loop3A_302 = arith.constant 0 : i32
        %parallel_loop3A_303 = vector.broadcast %parallel_loop3A_302 : i32 to vector<16xi32>
        %parallel_loop3A_304 = arith.cmpi slt, %parallel_loop3A_301, %parallel_loop3A_303 : vector<16xi32>
        %parallel_loop3A_305 = arith.constant 16 : i32
        %parallel_loop3A_306 = vector.broadcast %parallel_loop3A_305 : i32 to vector<16xi32>
        %parallel_loop3A_307 = arith.addi %parallel_loop3A_301, %parallel_loop3A_306 : vector<16xi32>
        %parallel_loop3A_308 = arith.select %parallel_loop3A_304, %parallel_loop3A_307, %parallel_loop3A_301 : vector<16xi1>, vector<16xi32>
        %parallel_loop3A_309 = vector.shape_cast %parallel_loop3A_308 : vector<16xi32> to vector<16x1xi32>
        %parallel_loop3A_310 = vector.shape_cast %parallel_loop3A_309 : vector<16x1xi32> to vector<16xi32>
        %parallel_loop3A_311 = tpu.dynamic_gather %parallel_loop3A_298[%parallel_loop3A_310] in [0] : vector<16xf32>, vector<16xi32> -> vector<16xf32>
        %parallel_loop3A_312 = arith.addf %parallel_loop3A_298, %parallel_loop3A_311 : vector<16xf32>
        %parallel_loop3A_313 = arith.addi %mul3A_84, %parallel_loop3A_129 : i32
        %parallel_loop3A_314 = arith.index_cast %parallel_loop3A_313 : i32 to index
        %parallel_loop3A_315 = tpu.vector_load %arg8[%parallel_loop3A_314] masked %eq3A_10 {strides = array<i32>} : memref<20016xf32, #tpu.memory_space<vmem>>, vector<16xf32>, vector<16xi1>
        tpu.vector_store %arg8[%parallel_loop3A_314], %parallel_loop3A_312 masked %eq3A_10 {strides = array<i32>} : memref<20016xf32, #tpu.memory_space<vmem>>, vector<16xf32>, vector<16xi1>
      } {sc.loop_unroll_factor = 2 : i64, sc.parallel_access}
      %add3A_89 = arith.constant 2 : i32
      %add3A_90 = arith.addi %mul3A_39, %add3A_89 : i32
      %lt3A_91 = arith.constant 250 : i32
      %lt3A_92 = arith.cmpi slt, %add3A_90, %lt3A_91 : i32
      %convert_element_type3A_93 = arith.extui %lt3A_92 : i1 to i32
      %cond3A_94 = arith.constant 0 : i32
      %cond3A_95 = arith.cmpi ne, %convert_element_type3A_93, %cond3A_94 : i32
      scf.if %cond3A_95 {
        %add3A_129 = arith.constant 2 : i32
        %add3A_130 = arith.addi %mul3A_39, %add3A_129 : i32
        %mul3A_131 = arith.constant 80 : i32
        %mul3A_132 = arith.muli %add3A_130, %mul3A_131 : i32
        %multiple_of3A_133 = tpu.assume_multiple %mul3A_132, 8 : i32
        %dma_start3A_134 = arith.constant 0 : i32
        %dma_start3A_135 = arith.constant 0 : i32
        %dma_start3A_136 = arith.constant 0 : i32
        %dma_start3A_137 = tpu.memref_slice %arg9[%dma_start3A_134, %dma_start3A_135, %dma_start3A_136] : memref<2x80x128xf32, #tpu.memory_space<vmem>> -> memref<1x80x128xf32, #tpu.memory_space<vmem>>
        %dma_start3A_138 = tpu.memref_squeeze %dma_start3A_137 : memref<1x80x128xf32, #tpu.memory_space<vmem>> -> memref<80x128xf32, #tpu.memory_space<vmem>>
        %dma_start3A_139 = tpu.memref_slice %arg6[%multiple_of3A_133] : memref<20000xi32, #tpu.memory_space<vmem>> -> memref<80xi32, #tpu.memory_space<vmem>>
        %dma_start3A_140 = arith.constant 0 : i32
        %dma_start3A_141 = arith.constant 0 : i32
        %dma_start3A_142 = tpu.memref_slice %arg2[%dma_start3A_140, %dma_start3A_141] : memref<10000x128xf32, #tpu.memory_space<hbm>> -> memref<10000x128xf32, #tpu.memory_space<hbm>>
        tpu.enqueue_indirect_dma source(%dma_start3A_142 : memref<10000x128xf32, #tpu.memory_space<hbm>>) target(%dma_start3A_138 : memref<80x128xf32, #tpu.memory_space<vmem>>) offsets(%dma_start3A_139 : memref<80xi32, #tpu.memory_space<vmem>>) semaphore(%arg11 : memref<!tpu.dma_semaphore, #tpu.memory_space<semaphore_mem>>)
        %dma_start3A_143 = arith.constant 0 : i32
        %dma_start3A_144 = arith.constant 0 : i32
        %dma_start3A_145 = arith.constant 0 : i32
        %dma_start3A_146 = tpu.memref_slice %arg10[%dma_start3A_143, %dma_start3A_144, %dma_start3A_145] : memref<2x80x128xf32, #tpu.memory_space<vmem>> -> memref<1x80x128xf32, #tpu.memory_space<vmem>>
        %dma_start3A_147 = tpu.memref_squeeze %dma_start3A_146 : memref<1x80x128xf32, #tpu.memory_space<vmem>> -> memref<80x128xf32, #tpu.memory_space<vmem>>
        %dma_start3A_148 = tpu.memref_slice %arg7[%multiple_of3A_133] : memref<20000xi32, #tpu.memory_space<vmem>> -> memref<80xi32, #tpu.memory_space<vmem>>
        %dma_start3A_149 = arith.constant 0 : i32
        %dma_start3A_150 = arith.constant 0 : i32
        %dma_start3A_151 = tpu.memref_slice %arg2[%dma_start3A_149, %dma_start3A_150] : memref<10000x128xf32, #tpu.memory_space<hbm>> -> memref<10000x128xf32, #tpu.memory_space<hbm>>
        tpu.enqueue_indirect_dma source(%dma_start3A_151 : memref<10000x128xf32, #tpu.memory_space<hbm>>) target(%dma_start3A_147 : memref<80x128xf32, #tpu.memory_space<vmem>>) offsets(%dma_start3A_148 : memref<80xi32, #tpu.memory_space<vmem>>) semaphore(%arg12 : memref<!tpu.dma_semaphore, #tpu.memory_space<semaphore_mem>>)
      } else {
      }
      %add3A_96 = arith.constant 1 : i32
      %add3A_97 = arith.addi %mul3A_39, %add3A_96 : i32
      %mul3A_98 = arith.constant 80 : i32
      %mul3A_99 = arith.muli %add3A_97, %mul3A_98 : i32
      %multiple_of3A_100 = tpu.assume_multiple %mul3A_99, 8 : i32
      %dma_wait3A_101 = arith.constant 1 : i32
      %dma_wait3A_102 = arith.constant 0 : i32
      %dma_wait3A_103 = arith.constant 0 : i32
      %dma_wait3A_104 = tpu.memref_slice %arg9[%dma_wait3A_101, %dma_wait3A_102, %dma_wait3A_103] : memref<2x80x128xf32, #tpu.memory_space<vmem>> -> memref<1x80x128xf32, #tpu.memory_space<vmem>>
      %dma_wait3A_105 = tpu.memref_squeeze %dma_wait3A_104 : memref<1x80x128xf32, #tpu.memory_space<vmem>> -> memref<80x128xf32, #tpu.memory_space<vmem>>
      %dma_wait3A_106 = tpu.memref_slice %arg6[%multiple_of3A_100] : memref<20000xi32, #tpu.memory_space<vmem>> -> memref<80xi32, #tpu.memory_space<vmem>>
      %dma_wait3A_107 = arith.constant 0 : i32
      %dma_wait3A_108 = arith.constant 0 : i32
      %dma_wait3A_109 = tpu.memref_slice %arg2[%dma_wait3A_107, %dma_wait3A_108] : memref<10000x128xf32, #tpu.memory_space<hbm>> -> memref<10000x128xf32, #tpu.memory_space<hbm>>
      tpu.wait_indirect_dma semaphore(%arg13 : memref<!tpu.dma_semaphore, #tpu.memory_space<semaphore_mem>>) src(%dma_wait3A_109 : memref<10000x128xf32, #tpu.memory_space<hbm>>) dst(%dma_wait3A_105 : memref<80x128xf32, #tpu.memory_space<vmem>>)
      %dma_wait3A_110 = arith.constant 1 : i32
      %dma_wait3A_111 = arith.constant 0 : i32
      %dma_wait3A_112 = arith.constant 0 : i32
      %dma_wait3A_113 = tpu.memref_slice %arg10[%dma_wait3A_110, %dma_wait3A_111, %dma_wait3A_112] : memref<2x80x128xf32, #tpu.memory_space<vmem>> -> memref<1x80x128xf32, #tpu.memory_space<vmem>>
      %dma_wait3A_114 = tpu.memref_squeeze %dma_wait3A_113 : memref<1x80x128xf32, #tpu.memory_space<vmem>> -> memref<80x128xf32, #tpu.memory_space<vmem>>
      %dma_wait3A_115 = tpu.memref_slice %arg7[%multiple_of3A_100] : memref<20000xi32, #tpu.memory_space<vmem>> -> memref<80xi32, #tpu.memory_space<vmem>>
      %dma_wait3A_116 = arith.constant 0 : i32
      %dma_wait3A_117 = arith.constant 0 : i32
      %dma_wait3A_118 = tpu.memref_slice %arg2[%dma_wait3A_116, %dma_wait3A_117] : memref<10000x128xf32, #tpu.memory_space<hbm>> -> memref<10000x128xf32, #tpu.memory_space<hbm>>
      tpu.wait_indirect_dma semaphore(%arg14 : memref<!tpu.dma_semaphore, #tpu.memory_space<semaphore_mem>>) src(%dma_wait3A_118 : memref<10000x128xf32, #tpu.memory_space<hbm>>) dst(%dma_wait3A_114 : memref<80x128xf32, #tpu.memory_space<vmem>>)
      %add3A_119 = arith.constant 1 : i32
      %add3A_120 = arith.addi %mul3A_39, %add3A_119 : i32
      %mul3A_121 = arith.constant 80 : i32
      %mul3A_122 = arith.muli %add3A_120, %mul3A_121 : i32
      %parallel_loop3A_123 = arith.constant 0 : i32
      %parallel_loop3A_124 = arith.constant 80 : i32
      %parallel_loop3A_125 = arith.constant 1 : i32
      %parallel_loop3A_126 = arith.constant 1 : i32
      %parallel_loop3A_127 = arith.constant 1 : i32
      scf.for %parallel_loop3A_129 = %parallel_loop3A_123 to %parallel_loop3A_124 step %parallel_loop3A_125  : i32 {
        %parallel_loop3A_130 = arith.constant 0 : i32
        %parallel_loop3A_131 = arith.constant 0 : i32
        %parallel_loop3A_132 = tpu.memref_slice %arg9[%parallel_loop3A_126, %parallel_loop3A_130, %parallel_loop3A_131] : memref<2x80x128xf32, #tpu.memory_space<vmem>> -> memref<1x80x128xf32, #tpu.memory_space<vmem>>
        %parallel_loop3A_133 = tpu.memref_squeeze %parallel_loop3A_132 : memref<1x80x128xf32, #tpu.memory_space<vmem>> -> memref<80x128xf32, #tpu.memory_space<vmem>>
        %parallel_loop3A_134 = arith.index_cast %parallel_loop3A_129 : i32 to index
        %parallel_loop3A_135 = arith.constant 0 : index
        %parallel_loop3A_136 = tpu.vector_load %parallel_loop3A_133[%parallel_loop3A_134, %parallel_loop3A_135] {strides = array<i32>} : memref<80x128xf32, #tpu.memory_space<vmem>>, vector<16xf32>,
        %parallel_loop3A_137 = arith.constant 0 : i32
        %parallel_loop3A_138 = arith.constant 0 : i32
        %parallel_loop3A_139 = tpu.memref_slice %arg10[%parallel_loop3A_127, %parallel_loop3A_137, %parallel_loop3A_138] : memref<2x80x128xf32, #tpu.memory_space<vmem>> -> memref<1x80x128xf32, #tpu.memory_space<vmem>>
        %parallel_loop3A_140 = tpu.memref_squeeze %parallel_loop3A_139 : memref<1x80x128xf32, #tpu.memory_space<vmem>> -> memref<80x128xf32, #tpu.memory_space<vmem>>
        %parallel_loop3A_141 = arith.index_cast %parallel_loop3A_129 : i32 to index
        %parallel_loop3A_142 = arith.constant 0 : index
        %parallel_loop3A_143 = tpu.vector_load %parallel_loop3A_140[%parallel_loop3A_141, %parallel_loop3A_142] {strides = array<i32>} : memref<80x128xf32, #tpu.memory_space<vmem>>, vector<16xf32>,
        %parallel_loop3A_144 = arith.mulf %parallel_loop3A_136, %parallel_loop3A_143 : vector<16xf32>
        %parallel_loop3A_145 = arith.constant 0 : i32
        %parallel_loop3A_146 = arith.constant 0 : i32
        %parallel_loop3A_147 = tpu.memref_slice %arg9[%parallel_loop3A_126, %parallel_loop3A_145, %parallel_loop3A_146] : memref<2x80x128xf32, #tpu.memory_space<vmem>> -> memref<1x80x128xf32, #tpu.memory_space<vmem>>
        %parallel_loop3A_148 = tpu.memref_squeeze %parallel_loop3A_147 : memref<1x80x128xf32, #tpu.memory_space<vmem>> -> memref<80x128xf32, #tpu.memory_space<vmem>>
        %parallel_loop3A_149 = arith.index_cast %parallel_loop3A_129 : i32 to index
        %parallel_loop3A_150 = arith.constant 16 : index
        %parallel_loop3A_151 = tpu.vector_load %parallel_loop3A_148[%parallel_loop3A_149, %parallel_loop3A_150] {strides = array<i32>} : memref<80x128xf32, #tpu.memory_space<vmem>>, vector<16xf32>,
        %parallel_loop3A_152 = arith.constant 0 : i32
        %parallel_loop3A_153 = arith.constant 0 : i32
        %parallel_loop3A_154 = tpu.memref_slice %arg10[%parallel_loop3A_127, %parallel_loop3A_152, %parallel_loop3A_153] : memref<2x80x128xf32, #tpu.memory_space<vmem>> -> memref<1x80x128xf32, #tpu.memory_space<vmem>>
        %parallel_loop3A_155 = tpu.memref_squeeze %parallel_loop3A_154 : memref<1x80x128xf32, #tpu.memory_space<vmem>> -> memref<80x128xf32, #tpu.memory_space<vmem>>
        %parallel_loop3A_156 = arith.index_cast %parallel_loop3A_129 : i32 to index
        %parallel_loop3A_157 = arith.constant 16 : index
        %parallel_loop3A_158 = tpu.vector_load %parallel_loop3A_155[%parallel_loop3A_156, %parallel_loop3A_157] {strides = array<i32>} : memref<80x128xf32, #tpu.memory_space<vmem>>, vector<16xf32>,
        %parallel_loop3A_159 = arith.mulf %parallel_loop3A_151, %parallel_loop3A_158 : vector<16xf32>
        %parallel_loop3A_160 = arith.constant 0 : i32
        %parallel_loop3A_161 = arith.constant 0 : i32
        %parallel_loop3A_162 = tpu.memref_slice %arg9[%parallel_loop3A_126, %parallel_loop3A_160, %parallel_loop3A_161] : memref<2x80x128xf32, #tpu.memory_space<vmem>> -> memref<1x80x128xf32, #tpu.memory_space<vmem>>
        %parallel_loop3A_163 = tpu.memref_squeeze %parallel_loop3A_162 : memref<1x80x128xf32, #tpu.memory_space<vmem>> -> memref<80x128xf32, #tpu.memory_space<vmem>>
        %parallel_loop3A_164 = arith.index_cast %parallel_loop3A_129 : i32 to index
        %parallel_loop3A_165 = arith.constant 32 : index
        %parallel_loop3A_166 = tpu.vector_load %parallel_loop3A_163[%parallel_loop3A_164, %parallel_loop3A_165] {strides = array<i32>} : memref<80x128xf32, #tpu.memory_space<vmem>>, vector<16xf32>,
        %parallel_loop3A_167 = arith.constant 0 : i32
        %parallel_loop3A_168 = arith.constant 0 : i32
        %parallel_loop3A_169 = tpu.memref_slice %arg10[%parallel_loop3A_127, %parallel_loop3A_167, %parallel_loop3A_168] : memref<2x80x128xf32, #tpu.memory_space<vmem>> -> memref<1x80x128xf32, #tpu.memory_space<vmem>>
        %parallel_loop3A_170 = tpu.memref_squeeze %parallel_loop3A_169 : memref<1x80x128xf32, #tpu.memory_space<vmem>> -> memref<80x128xf32, #tpu.memory_space<vmem>>
        %parallel_loop3A_171 = arith.index_cast %parallel_loop3A_129 : i32 to index
        %parallel_loop3A_172 = arith.constant 32 : index
        %parallel_loop3A_173 = tpu.vector_load %parallel_loop3A_170[%parallel_loop3A_171, %parallel_loop3A_172] {strides = array<i32>} : memref<80x128xf32, #tpu.memory_space<vmem>>, vector<16xf32>,
        %parallel_loop3A_174 = arith.mulf %parallel_loop3A_166, %parallel_loop3A_173 : vector<16xf32>
        %parallel_loop3A_175 = arith.addf %parallel_loop3A_144, %parallel_loop3A_174 : vector<16xf32>
        %parallel_loop3A_176 = arith.constant 0 : i32
        %parallel_loop3A_177 = arith.constant 0 : i32
        %parallel_loop3A_178 = tpu.memref_slice %arg9[%parallel_loop3A_126, %parallel_loop3A_176, %parallel_loop3A_177] : memref<2x80x128xf32, #tpu.memory_space<vmem>> -> memref<1x80x128xf32, #tpu.memory_space<vmem>>
        %parallel_loop3A_179 = tpu.memref_squeeze %parallel_loop3A_178 : memref<1x80x128xf32, #tpu.memory_space<vmem>> -> memref<80x128xf32, #tpu.memory_space<vmem>>
        %parallel_loop3A_180 = arith.index_cast %parallel_loop3A_129 : i32 to index
        %parallel_loop3A_181 = arith.constant 48 : index
        %parallel_loop3A_182 = tpu.vector_load %parallel_loop3A_179[%parallel_loop3A_180, %parallel_loop3A_181] {strides = array<i32>} : memref<80x128xf32, #tpu.memory_space<vmem>>, vector<16xf32>,
        %parallel_loop3A_183 = arith.constant 0 : i32
        %parallel_loop3A_184 = arith.constant 0 : i32
        %parallel_loop3A_185 = tpu.memref_slice %arg10[%parallel_loop3A_127, %parallel_loop3A_183, %parallel_loop3A_184] : memref<2x80x128xf32, #tpu.memory_space<vmem>> -> memref<1x80x128xf32, #tpu.memory_space<vmem>>
        %parallel_loop3A_186 = tpu.memref_squeeze %parallel_loop3A_185 : memref<1x80x128xf32, #tpu.memory_space<vmem>> -> memref<80x128xf32, #tpu.memory_space<vmem>>
        %parallel_loop3A_187 = arith.index_cast %parallel_loop3A_129 : i32 to index
        %parallel_loop3A_188 = arith.constant 48 : index
        %parallel_loop3A_189 = tpu.vector_load %parallel_loop3A_186[%parallel_loop3A_187, %parallel_loop3A_188] {strides = array<i32>} : memref<80x128xf32, #tpu.memory_space<vmem>>, vector<16xf32>,
        %parallel_loop3A_190 = arith.mulf %parallel_loop3A_182, %parallel_loop3A_189 : vector<16xf32>
        %parallel_loop3A_191 = arith.addf %parallel_loop3A_159, %parallel_loop3A_190 : vector<16xf32>
        %parallel_loop3A_192 = arith.constant 0 : i32
        %parallel_loop3A_193 = arith.constant 0 : i32
        %parallel_loop3A_194 = tpu.memref_slice %arg9[%parallel_loop3A_126, %parallel_loop3A_192, %parallel_loop3A_193] : memref<2x80x128xf32, #tpu.memory_space<vmem>> -> memref<1x80x128xf32, #tpu.memory_space<vmem>>
        %parallel_loop3A_195 = tpu.memref_squeeze %parallel_loop3A_194 : memref<1x80x128xf32, #tpu.memory_space<vmem>> -> memref<80x128xf32, #tpu.memory_space<vmem>>
        %parallel_loop3A_196 = arith.index_cast %parallel_loop3A_129 : i32 to index
        %parallel_loop3A_197 = arith.constant 64 : index
        %parallel_loop3A_198 = tpu.vector_load %parallel_loop3A_195[%parallel_loop3A_196, %parallel_loop3A_197] {strides = array<i32>} : memref<80x128xf32, #tpu.memory_space<vmem>>, vector<16xf32>,
        %parallel_loop3A_199 = arith.constant 0 : i32
        %parallel_loop3A_200 = arith.constant 0 : i32
        %parallel_loop3A_201 = tpu.memref_slice %arg10[%parallel_loop3A_127, %parallel_loop3A_199, %parallel_loop3A_200] : memref<2x80x128xf32, #tpu.memory_space<vmem>> -> memref<1x80x128xf32, #tpu.memory_space<vmem>>
        %parallel_loop3A_202 = tpu.memref_squeeze %parallel_loop3A_201 : memref<1x80x128xf32, #tpu.memory_space<vmem>> -> memref<80x128xf32, #tpu.memory_space<vmem>>
        %parallel_loop3A_203 = arith.index_cast %parallel_loop3A_129 : i32 to index
        %parallel_loop3A_204 = arith.constant 64 : index
        %parallel_loop3A_205 = tpu.vector_load %parallel_loop3A_202[%parallel_loop3A_203, %parallel_loop3A_204] {strides = array<i32>} : memref<80x128xf32, #tpu.memory_space<vmem>>, vector<16xf32>,
        %parallel_loop3A_206 = arith.mulf %parallel_loop3A_198, %parallel_loop3A_205 : vector<16xf32>
        %parallel_loop3A_207 = arith.addf %parallel_loop3A_175, %parallel_loop3A_206 : vector<16xf32>
        %parallel_loop3A_208 = arith.constant 0 : i32
        %parallel_loop3A_209 = arith.constant 0 : i32
        %parallel_loop3A_210 = tpu.memref_slice %arg9[%parallel_loop3A_126, %parallel_loop3A_208, %parallel_loop3A_209] : memref<2x80x128xf32, #tpu.memory_space<vmem>> -> memref<1x80x128xf32, #tpu.memory_space<vmem>>
        %parallel_loop3A_211 = tpu.memref_squeeze %parallel_loop3A_210 : memref<1x80x128xf32, #tpu.memory_space<vmem>> -> memref<80x128xf32, #tpu.memory_space<vmem>>
        %parallel_loop3A_212 = arith.index_cast %parallel_loop3A_129 : i32 to index
        %parallel_loop3A_213 = arith.constant 80 : index
        %parallel_loop3A_214 = tpu.vector_load %parallel_loop3A_211[%parallel_loop3A_212, %parallel_loop3A_213] {strides = array<i32>} : memref<80x128xf32, #tpu.memory_space<vmem>>, vector<16xf32>,
        %parallel_loop3A_215 = arith.constant 0 : i32
        %parallel_loop3A_216 = arith.constant 0 : i32
        %parallel_loop3A_217 = tpu.memref_slice %arg10[%parallel_loop3A_127, %parallel_loop3A_215, %parallel_loop3A_216] : memref<2x80x128xf32, #tpu.memory_space<vmem>> -> memref<1x80x128xf32, #tpu.memory_space<vmem>>
        %parallel_loop3A_218 = tpu.memref_squeeze %parallel_loop3A_217 : memref<1x80x128xf32, #tpu.memory_space<vmem>> -> memref<80x128xf32, #tpu.memory_space<vmem>>
        %parallel_loop3A_219 = arith.index_cast %parallel_loop3A_129 : i32 to index
        %parallel_loop3A_220 = arith.constant 80 : index
        %parallel_loop3A_221 = tpu.vector_load %parallel_loop3A_218[%parallel_loop3A_219, %parallel_loop3A_220] {strides = array<i32>} : memref<80x128xf32, #tpu.memory_space<vmem>>, vector<16xf32>,
        %parallel_loop3A_222 = arith.mulf %parallel_loop3A_214, %parallel_loop3A_221 : vector<16xf32>
        %parallel_loop3A_223 = arith.addf %parallel_loop3A_191, %parallel_loop3A_222 : vector<16xf32>
        %parallel_loop3A_224 = arith.constant 0 : i32
        %parallel_loop3A_225 = arith.constant 0 : i32
        %parallel_loop3A_226 = tpu.memref_slice %arg9[%parallel_loop3A_126, %parallel_loop3A_224, %parallel_loop3A_225] : memref<2x80x128xf32, #tpu.memory_space<vmem>> -> memref<1x80x128xf32, #tpu.memory_space<vmem>>
        %parallel_loop3A_227 = tpu.memref_squeeze %parallel_loop3A_226 : memref<1x80x128xf32, #tpu.memory_space<vmem>> -> memref<80x128xf32, #tpu.memory_space<vmem>>
        %parallel_loop3A_228 = arith.index_cast %parallel_loop3A_129 : i32 to index
        %parallel_loop3A_229 = arith.constant 96 : index
        %parallel_loop3A_230 = tpu.vector_load %parallel_loop3A_227[%parallel_loop3A_228, %parallel_loop3A_229] {strides = array<i32>} : memref<80x128xf32, #tpu.memory_space<vmem>>, vector<16xf32>,
        %parallel_loop3A_231 = arith.constant 0 : i32
        %parallel_loop3A_232 = arith.constant 0 : i32
        %parallel_loop3A_233 = tpu.memref_slice %arg10[%parallel_loop3A_127, %parallel_loop3A_231, %parallel_loop3A_232] : memref<2x80x128xf32, #tpu.memory_space<vmem>> -> memref<1x80x128xf32, #tpu.memory_space<vmem>>
        %parallel_loop3A_234 = tpu.memref_squeeze %parallel_loop3A_233 : memref<1x80x128xf32, #tpu.memory_space<vmem>> -> memref<80x128xf32, #tpu.memory_space<vmem>>
        %parallel_loop3A_235 = arith.index_cast %parallel_loop3A_129 : i32 to index
        %parallel_loop3A_236 = arith.constant 96 : index
        %parallel_loop3A_237 = tpu.vector_load %parallel_loop3A_234[%parallel_loop3A_235, %parallel_loop3A_236] {strides = array<i32>} : memref<80x128xf32, #tpu.memory_space<vmem>>, vector<16xf32>,
        %parallel_loop3A_238 = arith.mulf %parallel_loop3A_230, %parallel_loop3A_237 : vector<16xf32>
        %parallel_loop3A_239 = arith.addf %parallel_loop3A_207, %parallel_loop3A_238 : vector<16xf32>
        %parallel_loop3A_240 = arith.constant 0 : i32
        %parallel_loop3A_241 = arith.constant 0 : i32
        %parallel_loop3A_242 = tpu.memref_slice %arg9[%parallel_loop3A_126, %parallel_loop3A_240, %parallel_loop3A_241] : memref<2x80x128xf32, #tpu.memory_space<vmem>> -> memref<1x80x128xf32, #tpu.memory_space<vmem>>
        %parallel_loop3A_243 = tpu.memref_squeeze %parallel_loop3A_242 : memref<1x80x128xf32, #tpu.memory_space<vmem>> -> memref<80x128xf32, #tpu.memory_space<vmem>>
        %parallel_loop3A_244 = arith.index_cast %parallel_loop3A_129 : i32 to index
        %parallel_loop3A_245 = arith.constant 112 : index
        %parallel_loop3A_246 = tpu.vector_load %parallel_loop3A_243[%parallel_loop3A_244, %parallel_loop3A_245] {strides = array<i32>} : memref<80x128xf32, #tpu.memory_space<vmem>>, vector<16xf32>,
        %parallel_loop3A_247 = arith.constant 0 : i32
        %parallel_loop3A_248 = arith.constant 0 : i32
        %parallel_loop3A_249 = tpu.memref_slice %arg10[%parallel_loop3A_127, %parallel_loop3A_247, %parallel_loop3A_248] : memref<2x80x128xf32, #tpu.memory_space<vmem>> -> memref<1x80x128xf32, #tpu.memory_space<vmem>>
        %parallel_loop3A_250 = tpu.memref_squeeze %parallel_loop3A_249 : memref<1x80x128xf32, #tpu.memory_space<vmem>> -> memref<80x128xf32, #tpu.memory_space<vmem>>
        %parallel_loop3A_251 = arith.index_cast %parallel_loop3A_129 : i32 to index
        %parallel_loop3A_252 = arith.constant 112 : index
        %parallel_loop3A_253 = tpu.vector_load %parallel_loop3A_250[%parallel_loop3A_251, %parallel_loop3A_252] {strides = array<i32>} : memref<80x128xf32, #tpu.memory_space<vmem>>, vector<16xf32>,
        %parallel_loop3A_254 = arith.mulf %parallel_loop3A_246, %parallel_loop3A_253 : vector<16xf32>
        %parallel_loop3A_255 = arith.addf %parallel_loop3A_223, %parallel_loop3A_254 : vector<16xf32>
        %parallel_loop3A_256 = arith.addf %parallel_loop3A_239, %parallel_loop3A_255 : vector<16xf32>
        %parallel_loop3A_257 = arith.constant 8 : i32
        %parallel_loop3A_258 = vector.broadcast %parallel_loop3A_257 : i32 to vector<16xi32>
        %parallel_loop3A_259 = arith.xori %iota3A, %parallel_loop3A_258 : vector<16xi32>
        %parallel_loop3A_260 = arith.constant 0 : i32
        %parallel_loop3A_261 = vector.broadcast %parallel_loop3A_260 : i32 to vector<16xi32>
        %parallel_loop3A_262 = arith.cmpi slt, %parallel_loop3A_259, %parallel_loop3A_261 : vector<16xi32>
        %parallel_loop3A_263 = arith.constant 16 : i32
        %parallel_loop3A_264 = vector.broadcast %parallel_loop3A_263 : i32 to vector<16xi32>
        %parallel_loop3A_265 = arith.addi %parallel_loop3A_259, %parallel_loop3A_264 : vector<16xi32>
        %parallel_loop3A_266 = arith.select %parallel_loop3A_262, %parallel_loop3A_265, %parallel_loop3A_259 : vector<16xi1>, vector<16xi32>
        %parallel_loop3A_267 = vector.shape_cast %parallel_loop3A_266 : vector<16xi32> to vector<16x1xi32>
        %parallel_loop3A_268 = vector.shape_cast %parallel_loop3A_267 : vector<16x1xi32> to vector<16xi32>
        %parallel_loop3A_269 = tpu.dynamic_gather %parallel_loop3A_256[%parallel_loop3A_268] in [0] : vector<16xf32>, vector<16xi32> -> vector<16xf32>
        %parallel_loop3A_270 = arith.addf %parallel_loop3A_256, %parallel_loop3A_269 : vector<16xf32>
        %parallel_loop3A_271 = arith.constant 4 : i32
        %parallel_loop3A_272 = vector.broadcast %parallel_loop3A_271 : i32 to vector<16xi32>
        %parallel_loop3A_273 = arith.xori %iota3A, %parallel_loop3A_272 : vector<16xi32>
        %parallel_loop3A_274 = arith.constant 0 : i32
        %parallel_loop3A_275 = vector.broadcast %parallel_loop3A_274 : i32 to vector<16xi32>
        %parallel_loop3A_276 = arith.cmpi slt, %parallel_loop3A_273, %parallel_loop3A_275 : vector<16xi32>
        %parallel_loop3A_277 = arith.constant 16 : i32
        %parallel_loop3A_278 = vector.broadcast %parallel_loop3A_277 : i32 to vector<16xi32>
        %parallel_loop3A_279 = arith.addi %parallel_loop3A_273, %parallel_loop3A_278 : vector<16xi32>
        %parallel_loop3A_280 = arith.select %parallel_loop3A_276, %parallel_loop3A_279, %parallel_loop3A_273 : vector<16xi1>, vector<16xi32>
        %parallel_loop3A_281 = vector.shape_cast %parallel_loop3A_280 : vector<16xi32> to vector<16x1xi32>
        %parallel_loop3A_282 = vector.shape_cast %parallel_loop3A_281 : vector<16x1xi32> to vector<16xi32>
        %parallel_loop3A_283 = tpu.dynamic_gather %parallel_loop3A_270[%parallel_loop3A_282] in [0] : vector<16xf32>, vector<16xi32> -> vector<16xf32>
        %parallel_loop3A_284 = arith.addf %parallel_loop3A_270, %parallel_loop3A_283 : vector<16xf32>
        %parallel_loop3A_285 = arith.constant 2 : i32
        %parallel_loop3A_286 = vector.broadcast %parallel_loop3A_285 : i32 to vector<16xi32>
        %parallel_loop3A_287 = arith.xori %iota3A, %parallel_loop3A_286 : vector<16xi32>
        %parallel_loop3A_288 = arith.constant 0 : i32
        %parallel_loop3A_289 = vector.broadcast %parallel_loop3A_288 : i32 to vector<16xi32>
        %parallel_loop3A_290 = arith.cmpi slt, %parallel_loop3A_287, %parallel_loop3A_289 : vector<16xi32>
        %parallel_loop3A_291 = arith.constant 16 : i32
        %parallel_loop3A_292 = vector.broadcast %parallel_loop3A_291 : i32 to vector<16xi32>
        %parallel_loop3A_293 = arith.addi %parallel_loop3A_287, %parallel_loop3A_292 : vector<16xi32>
        %parallel_loop3A_294 = arith.select %parallel_loop3A_290, %parallel_loop3A_293, %parallel_loop3A_287 : vector<16xi1>, vector<16xi32>
        %parallel_loop3A_295 = vector.shape_cast %parallel_loop3A_294 : vector<16xi32> to vector<16x1xi32>
        %parallel_loop3A_296 = vector.shape_cast %parallel_loop3A_295 : vector<16x1xi32> to vector<16xi32>
        %parallel_loop3A_297 = tpu.dynamic_gather %parallel_loop3A_284[%parallel_loop3A_296] in [0] : vector<16xf32>, vector<16xi32> -> vector<16xf32>
        %parallel_loop3A_298 = arith.addf %parallel_loop3A_284, %parallel_loop3A_297 : vector<16xf32>
        %parallel_loop3A_299 = arith.constant 1 : i32
        %parallel_loop3A_300 = vector.broadcast %parallel_loop3A_299 : i32 to vector<16xi32>
        %parallel_loop3A_301 = arith.xori %iota3A, %parallel_loop3A_300 : vector<16xi32>
        %parallel_loop3A_302 = arith.constant 0 : i32
        %parallel_loop3A_303 = vector.broadcast %parallel_loop3A_302 : i32 to vector<16xi32>
        %parallel_loop3A_304 = arith.cmpi slt, %parallel_loop3A_301, %parallel_loop3A_303 : vector<16xi32>
        %parallel_loop3A_305 = arith.constant 16 : i32
        %parallel_loop3A_306 = vector.broadcast %parallel_loop3A_305 : i32 to vector<16xi32>
        %parallel_loop3A_307 = arith.addi %parallel_loop3A_301, %parallel_loop3A_306 : vector<16xi32>
        %parallel_loop3A_308 = arith.select %parallel_loop3A_304, %parallel_loop3A_307, %parallel_loop3A_301 : vector<16xi1>, vector<16xi32>
        %parallel_loop3A_309 = vector.shape_cast %parallel_loop3A_308 : vector<16xi32> to vector<16x1xi32>
        %parallel_loop3A_310 = vector.shape_cast %parallel_loop3A_309 : vector<16x1xi32> to vector<16xi32>
        %parallel_loop3A_311 = tpu.dynamic_gather %parallel_loop3A_298[%parallel_loop3A_310] in [0] : vector<16xf32>, vector<16xi32> -> vector<16xf32>
        %parallel_loop3A_312 = arith.addf %parallel_loop3A_298, %parallel_loop3A_311 : vector<16xf32>
        %parallel_loop3A_313 = arith.addi %mul3A_122, %parallel_loop3A_129 : i32
        %parallel_loop3A_314 = arith.index_cast %parallel_loop3A_313 : i32 to index
        %parallel_loop3A_315 = tpu.vector_load %arg8[%parallel_loop3A_314] masked %eq3A_10 {strides = array<i32>} : memref<20016xf32, #tpu.memory_space<vmem>>, vector<16xf32>, vector<16xi1>
        tpu.vector_store %arg8[%parallel_loop3A_314], %parallel_loop3A_312 masked %eq3A_10 {strides = array<i32>} : memref<20016xf32, #tpu.memory_space<vmem>>, vector<16xf32>, vector<16xi1>
      } {sc.loop_unroll_factor = 2 : i64, sc.parallel_access}
      %scan3A_128 = arith.constant 0 : i32
      scf.yield %scan3A_128 : i32
    }
    %scan3A_35 = arith.constant 125 : i32
    "tpu.region"() ({
      %run_scoped3A = tpu.sem_alloc : memref<!tpu.dma_semaphore, #tpu.memory_space<semaphore_mem>>
      %dma_start3A_36 = arith.constant 0 : i32
      %dma_start3A_37 = tpu.memref_slice %arg8[%dma_start3A_36] : memref<20016xf32, #tpu.memory_space<vmem>> -> memref<20000xf32, #tpu.memory_space<vmem>>
      %dma_start3A_38 = tpu.memref_slice %arg5[%multiple_of3A] : memref<640000xf32, #tpu.memory_space<hbm>> -> memref<20000xf32, #tpu.memory_space<hbm>>
      %dma_start3A_39 = tpu.memref_slice %arg5[%multiple_of3A] : memref<640000xf32, #tpu.memory_space<hbm>> -> memref<20000xf32, #tpu.memory_space<hbm>>
      %dma_start3A_40 = arith.constant 0 : i32
      %dma_start3A_41 = tpu.memref_slice %arg8[%dma_start3A_40] : memref<20016xf32, #tpu.memory_space<vmem>> -> memref<20000xf32, #tpu.memory_space<vmem>>
      tpu.enqueue_dma source(%dma_start3A_41 : memref<20000xf32, #tpu.memory_space<vmem>>) target(%dma_start3A_39 : memref<20000xf32, #tpu.memory_space<hbm>>) target_semaphore(%run_scoped3A : memref<!tpu.dma_semaphore, #tpu.memory_space<semaphore_mem>>)
      %dma_wait3A = arith.constant 0 : i32
      %dma_wait3A_42 = tpu.memref_slice %arg8[%dma_wait3A] : memref<20016xf32, #tpu.memory_space<vmem>> -> memref<20000xf32, #tpu.memory_space<vmem>>
      %dma_wait3A_43 = tpu.memref_slice %arg5[%multiple_of3A] : memref<640000xf32, #tpu.memory_space<hbm>> -> memref<20000xf32, #tpu.memory_space<hbm>>
      %dma_wait3A_44 = tpu.memref_slice %arg5[%multiple_of3A] : memref<640000xf32, #tpu.memory_space<hbm>> -> memref<20000xf32, #tpu.memory_space<hbm>>
      %dma_wait3A_45 = arith.constant 0 : i32
      %dma_wait3A_46 = tpu.memref_slice %arg8[%dma_wait3A_45] : memref<20016xf32, #tpu.memory_space<vmem>> -> memref<20000xf32, #tpu.memory_space<vmem>>
      tpu.wait_dma2 semaphore(%run_scoped3A : memref<!tpu.dma_semaphore, #tpu.memory_space<semaphore_mem>>) src(%dma_wait3A_46 : memref<20000xf32, #tpu.memory_space<vmem>>) dst(%dma_wait3A_44 : memref<20000xf32, #tpu.memory_space<hbm>>)
      tpu.yield
    }) : () -> ()
    return
  }
}

module attributes {stable_mosaic.version = 14 : i64} {
  func.func @body(%arg0: memref<5000x128xf32, #tpu.memory_space<vmem>>, %arg1: memref<1x1xf32, #tpu.memory_space<smem>>) attributes {dimension_semantics = [], scalar_prefetch = 0 : i64, scratch_operands = 0 : i64, tpu.core_type = #tpu.core_type<tc>} {
    %get3A = arith.constant 0 : index
    %get3A_0 = arith.constant 0 : index
    %get3A_1 = vector.load %arg0[%get3A, %get3A_0] : memref<5000x128xf32, #tpu.memory_space<vmem>>, vector<5000x128xf32>
    %slice3A = vector.extract_strided_slice %get3A_1 {offsets = [0, 0], sizes = [2500, 128], strides = [1, 1]} : vector<5000x128xf32> to vector<2500x128xf32>
    %slice3A_2 = vector.extract_strided_slice %get3A_1 {offsets = [2500, 0], sizes = [2500, 128], strides = [1, 1]} : vector<5000x128xf32> to vector<2500x128xf32>
    %logistic3A = arith.negf %slice3A : vector<2500x128xf32>
    %logistic3A_3 = math.exp %logistic3A : vector<2500x128xf32>
    %logistic3A_4 = arith.constant 1.000000e+00 : f32
    %logistic3A_5 = vector.broadcast %logistic3A_4 : f32 to vector<2500x128xf32>
    %logistic3A_6 = arith.addf %logistic3A_5, %logistic3A_3 : vector<2500x128xf32>
    %logistic3A_7 = arith.divf %logistic3A_5, %logistic3A_6 : vector<2500x128xf32>
    %logistic3A_8 = arith.negf %slice3A_2 : vector<2500x128xf32>
    %logistic3A_9 = math.exp %logistic3A_8 : vector<2500x128xf32>
    %logistic3A_10 = arith.constant 1.000000e+00 : f32
    %logistic3A_11 = vector.broadcast %logistic3A_10 : f32 to vector<2500x128xf32>
    %logistic3A_12 = arith.addf %logistic3A_11, %logistic3A_9 : vector<2500x128xf32>
    %logistic3A_13 = arith.divf %logistic3A_11, %logistic3A_12 : vector<2500x128xf32>
    %add3A = arith.constant 1.000000e-15 : f32
    %add3A_14 = vector.broadcast %add3A : f32 to vector<2500x128xf32>
    %add3A_15 = arith.addf %logistic3A_7, %add3A_14 : vector<2500x128xf32>
    %log3A = math.log %add3A_15 : vector<2500x128xf32>
    %neg3A = arith.constant 0.000000e+00 : f32
    %neg3A_16 = vector.broadcast %neg3A : f32 to vector<2500x128xf32>
    %neg3A_17 = arith.subf %neg3A_16, %log3A : vector<2500x128xf32>
    %reduce_sum3A = vector.shape_cast %neg3A_17 : vector<2500x128xf32> to vector<1x2500x128xf32>
    %reduce_sum3A_18 = arith.constant dense<0.000000e+00> : vector<1xf32>
    %reduce_sum3A_19 = vector.multi_reduction <add>, %reduce_sum3A, %reduce_sum3A_18 [1, 2] : vector<1x2500x128xf32> to vector<1xf32>
    %reduce_sum3A_20 = vector.shape_cast %reduce_sum3A_19 : vector<1xf32> to vector<1x1x1xf32>
    %reduce_sum3A_21 = vector.extract %reduce_sum3A_20[0, 0, 0] : f32 from vector<1x1x1xf32>
    %sub3A = arith.constant 1.000000e+00 : f32
    %sub3A_22 = vector.broadcast %sub3A : f32 to vector<2500x128xf32>
    %sub3A_23 = arith.subf %sub3A_22, %logistic3A_13 : vector<2500x128xf32>
    %add3A_24 = arith.constant 1.000000e-15 : f32
    %add3A_25 = vector.broadcast %add3A_24 : f32 to vector<2500x128xf32>
    %add3A_26 = arith.addf %sub3A_23, %add3A_25 : vector<2500x128xf32>
    %log3A_27 = math.log %add3A_26 : vector<2500x128xf32>
    %neg3A_28 = arith.constant 0.000000e+00 : f32
    %neg3A_29 = vector.broadcast %neg3A_28 : f32 to vector<2500x128xf32>
    %neg3A_30 = arith.subf %neg3A_29, %log3A_27 : vector<2500x128xf32>
    %reduce_sum3A_31 = vector.shape_cast %neg3A_30 : vector<2500x128xf32> to vector<1x2500x128xf32>
    %reduce_sum3A_32 = arith.constant dense<0.000000e+00> : vector<1xf32>
    %reduce_sum3A_33 = vector.multi_reduction <add>, %reduce_sum3A_31, %reduce_sum3A_32 [1, 2] : vector<1x2500x128xf32> to vector<1xf32>
    %reduce_sum3A_34 = vector.shape_cast %reduce_sum3A_33 : vector<1xf32> to vector<1x1x1xf32>
    %reduce_sum3A_35 = vector.extract %reduce_sum3A_34[0, 0, 0] : f32 from vector<1x1x1xf32>
    %add3A_36 = arith.addf %reduce_sum3A_21, %reduce_sum3A_35 : f32
    %div3A = arith.constant 3.200000e+05 : f32
    %div3A_37 = arith.divf %add3A_36, %div3A : f32
    %swap3A = arith.constant 0 : index
    %swap3A_38 = arith.constant 0 : index
    %swap3A_39 = memref.load %arg1[%swap3A, %swap3A_38] : memref<1x1xf32, #tpu.memory_space<smem>>
    memref.store %div3A_37, %arg1[%swap3A, %swap3A_38] : memref<1x1xf32, #tpu.memory_space<smem>>
    return
  }
}

</mosaic_0001>

<sc_bundles>
// kernel: kernel.4.cloned.1.call-start
scs
__scs_entry_jumppad:
0x0: {  	(pc) =	sbr.rel $0x88, $3  }
0x1: {  	(tag) =	ssettag $0x0;
	lr =	simm.s32 $0x1  }
0x2: {  	[smem:$0x3F9E] =	sst lr;
	_ =	strace $0xD0000000  }
0x3: {  	_ = 	snop  }
0x4: {  	_ = 	snop  }
0x5: {  	_ = 	snop  }
0x6: {  	_ = 	snop  }
0x7: {  	_ = 	snop  }
__scs_overlays_trampoline_lowered:
0x8: {  	[smem:$0x3FAD] =	sst s0  }
0x9: {  	[smem:$0x3FAE] =	sst s1  }
0xa: {  	[smem:$0x3FAF] =	sst s2  }
0xb: {  	[smem:$0x3FB0] =	sst s3  }
0xc: {  	[smem:$0x3FB1] =	sst s4  }
0xd: {  	[smem:$0x3FB2] =	sst s5  }
0xe: {  	[smem:$0x3FB3] =	sst s6  }
0xf: {  	[smem:$0x3FB4] =	sst s7  }
0x10: {  	[smem:$0x3FB5] =	sst s8  }
0x11: {  	[smem:$0x3FB6] =	sst s9;
	s0 =	simm.s32 @!p0 $0x0  }
0x12: {  	s1 =	sld [smem:$0x3F9C];
	s0 =	simm.s32 @p0 $0x1  }
0x13: {  	[smem:$0x3FB7] =	sst s0;
	s0 =	simm.s32 @!p1 $0x0  }
0x14: {  	s2 =	sld [smem:$0x3F9B];
	s0 =	simm.s32 @p1 $0x1  }
0x15: {  	[smem:$0x3FB8] =	sst s0;
	s0 =	simm.s32 @!p2 $0x0  }
0x16: {  	s3 =	sld [smem:$0x3FDB];
	s0 =	simm.s32 @p2 $0x1  }
0x17: {  	s4 =	simm.s32 $0x1BF5;
	[smem:$0x3FBA] =	sst s0  }
0x18: {  	s0 =	sld [smem:$0x3F9D];
	_ =	swait.ge [sflag:s4], $0x0  }
0x19: {  	s7 =	sld [smem:$0x3F9E]  }
0x1a: {  	s8 =	sadd.s32 $0xFFFFE003, lr  }
0x1b: {  	s9 =	sadd.s32 $0xFFFFFEF7, lr;
	s5 =	simm.s32 $0xFFFFFFFF;
	p2 =	slt.u32 s8, $0xFFFFF086  }
0x1c: {  	p1 =	slt.u32 s9, $0xF7A;
	s5 =	simm.s32 @!p2 $0x0  }
0x1d: {  	s5 =	simm.s32 @p1 $0x1;
	p0 =	seq.s32 s7, s2  }
0x1e: {  	s7 =	smul.u32 @!p0 $0xF7A, s2;
	p2 =	seq.s32 @!p0 s5, $0x0  }
0x1f: {  	s9 =	smul.u32 $0xF7A, s1;
	s8 =	simm.s32 @!p0 $0x1BF5;
	p2 =	por !p2, p0  }
0x20: {  	[sflag:s8] =	ssyncset.s32 @!p0 $0xFFFFF086;
	s6 =	sadd.s32 @!p0 s3, s7;
	s7 =	simm.s32 @!p0 $0x108  }
0x21: {  	s3 =	sadd.s32 s3, s9;
	s6 =	sadd.s32 @!p0 $0x88, s6;
	s7 =	simm.s32 @p2 $0x1082  }
0x22: {  	[simem:s7], [sflag:s8] =	dma.local @!p0 [hbm:s6], $0xF7A  }
0x23: {  	s9 =	sor.u32 $0xD0000000, s2;
	s6 =	simm.s32 $0x108;
	_ =	swait.ge @!p0 [sflag:s8], $0x0  }
0x24: {  	s3 =	sadd.s32 $0x88, s3;
	s6 =	simm.s32 @!p1 $0x1082;
	[sflag:s4] =	ssyncset.s32 $0xFFFFF086  }
0x25: {  	[simem:s6], [sflag:s4] =	dma.local [hbm:s3], $0xF7A  }
0x26: {  	[smem:$0x3F9E] =	sst s1;
	(tag) =	ssettag s2;
	_ =	strace s9  }
0x27: {  	s1 =	sld [smem:$0x3FAE]  }
0x28: {  	s2 =	sld [smem:$0x3FAF]  }
0x29: {  	s4 =	sld [smem:$0x3FB1]  }
0x2a: {  	p0 =	seq.s32 s5, $0x0;
	s5 =	sld [smem:$0x3FB2]  }
0x2b: {  	s6 =	sld [smem:$0x3FB3]  }
0x2c: {  	s7 =	sld [smem:$0x3FB4]  }
0x2d: {  	s3 =	simm.s32 $0x108;
	s8 =	sld [smem:$0x3FB5]  }
0x2e: {  	s3 =	simm.s32 @!p0 $0x1082;
	s9 =	sld [smem:$0x3FB6]  }
0x2f: {  	lr =	sadd.s32 s0, s3;
	s0 =	sld [smem:$0x3FAD]  }
0x30: {  	s3 =	sld [smem:$0x3FB0]  }
0x31: {  	[smem:$0x3FB9] =	sst s10  }
0x32: {  	s10 =	sld [smem:$0x3FB7];
	_ =	sdelay $0x3  }
0x33: {  	p0 =	seq.s32 s10, $0x1;
	s10 =	sld [smem:$0x3FB9];
	_ =	sdelay $0x3  }
0x34: {  	[smem:$0x3FB9] =	sst s10  }
0x35: {  	s10 =	sld [smem:$0x3FB8];
	_ =	sdelay $0x3  }
0x36: {  	p1 =	seq.s32 s10, $0x1;
	s10 =	sld [smem:$0x3FB9];
	_ =	sdelay $0x3  }
0x37: {  	[smem:$0x3FB9] =	sst s10  }
0x38: {  	s10 =	sld [smem:$0x3FBA]  }
0x39: {  	_ = 	snop;
	(pc) =	sbr.ind lr, $3  }
0x3a: {  	_ = 	snop  }
0x3b: {  	_ = 	snop  }
0x3c: {  	p2 =	seq.s32 s10, $0x1;
	s10 =	sld [smem:$0x3FB9]  }
0x3d: {  	_ =	shalt  }
0x3e: {  	_ =	shalt  }
0x3f: {  	_ =	shalt  }
0x40: {  	_ =	shalt  }
0x41: {  	_ =	shalt  }
0x42: {  	_ =	shalt  }
0x43: {  	_ =	shalt  }
0x44: {  	_ =	shalt  }
0x45: {  	_ =	shalt  }
0x46: {  	_ =	shalt  }
0x47: {  	_ =	shalt  }
0x48: {  	_ =	shalt  }
0x49: {  	_ =	shalt  }
0x4a: {  	_ =	shalt  }
0x4b: {  	_ =	shalt  }
0x4c: {  	_ =	shalt  }
0x4d: {  	_ =	shalt  }
0x4e: {  	_ =	shalt  }
0x4f: {  	_ =	shalt  }
0x50: {  	_ =	shalt  }
0x51: {  	_ =	shalt  }
0x52: {  	_ =	shalt  }
0x53: {  	_ =	shalt  }
0x54: {  	_ =	shalt  }
0x55: {  	_ =	shalt  }
0x56: {  	_ =	shalt  }
0x57: {  	_ =	shalt  }
0x58: {  	_ =	shalt  }
0x59: {  	_ =	shalt  }
0x5a: {  	_ =	shalt  }
0x5b: {  	_ =	shalt  }
0x5c: {  	_ =	shalt  }
0x5d: {  	_ =	shalt  }
0x5e: {  	_ =	shalt  }
0x5f: {  	_ =	shalt  }
0x60: {  	_ =	shalt  }
0x61: {  	_ =	shalt  }
0x62: {  	_ =	shalt  }
0x63: {  	_ =	shalt  }
0x64: {  	_ =	shalt  }
0x65: {  	_ =	shalt  }
0x66: {  	_ =	shalt  }
0x67: {  	_ =	shalt  }
0x68: {  	_ =	shalt  }
0x69: {  	_ =	shalt  }
0x6a: {  	_ =	shalt  }
0x6b: {  	_ =	shalt  }
0x6c: {  	_ =	shalt  }
0x6d: {  	_ =	shalt  }
0x6e: {  	_ =	shalt  }
0x6f: {  	_ =	shalt  }
0x70: {  	_ =	shalt  }
0x71: {  	_ =	shalt  }
0x72: {  	_ =	shalt  }
0x73: {  	_ =	shalt  }
0x74: {  	_ =	shalt  }
0x75: {  	_ =	shalt  }
0x76: {  	_ =	shalt  }
0x77: {  	_ =	shalt  }
0x78: {  	_ =	shalt  }
0x79: {  	_ =	shalt  }
0x7a: {  	_ =	shalt  }
0x7b: {  	_ =	shalt  }
0x7c: {  	_ =	shalt  }
0x7d: {  	_ =	shalt  }
0x7e: {  	_ =	shalt  }
0x7f: {  	_ =	shalt  }
0x80: {  	_ =	shalt  }
0x81: {  	_ =	shalt  }
0x82: {  	_ =	shalt  }
0x83: {  	_ =	shalt  }
0x84: {  	_ =	shalt  }
0x85: {  	_ =	shalt  }
0x86: {  	_ =	shalt  }
0x87: {  	_ =	shalt  }
.Lfunc_end0:
.L_simem_size_0:
called_computation_lowered:
.L_overlay_start_0:
0x88: {  	s2 =	sld [smem:$0x3FD9]  }
0x89: {  	s3 =	sld [smem:$0x3FFE];
	_ =	sdelay $0x1  }
0x8a: {  	s1 =	srdreg.scid  }
0x8b: {  	s0 =	sand.u32 $0x1, s1  }
0x8c: {  	s17 =	sshll.u32 s0, $0xA;
	s2 =	sadd.s32 s3, s2  }
0x8d: {  	s2 =	sadd.s32 s2, s17  }
0x8e: {  	[smem:$0x3FC5] =	sst s2  }
0x8f: {  	_ = 	snop  }
0x90: {  	s2 =	sld [smem:$0x3FC9];
	(tm) =	ssettm $0x1  }
0x91: {  	s18 =	sld [smem:$0x3FFB];
	_ =	sdelay $0x3  }
0x92: {  	_ =	strace s18  }
0x93: {  	s3 =	sld [smem:$0x3FFC];
	_ =	sdelay $0x3  }
0x94: {  	_ =	strace s3  }
0x95: {  	s3 =	sld [smem:$0x3FFD];
	_ =	sdelay $0x3  }
0x96: {  	_ =	strace s3  }
0x97: {  	_ =	strace $0x8FFFFFFF  }
0x98: {  	s19 =	sld [smem:$0x3FDB];
	_ =	sdelay $0x1  }
0x99: {  	s4 =	simm.s32 $_scs_section_size  }
0x9a: {  	s5 =	simm.s32 $_size__tile_overlayer_lowered;
	s6 =	simm.s32 $_tile_overlayer_lowered  }
0x9b: {  	s22 =	simm.s32 $0x1BFF;
	s21 =	sshll.u32 s6, $0x1;
	s3 =	sadd.s32 s4, s19  }
0x9c: {  	s7 =	simm.s32 $0x0;
	s20 =	sshll.u32 s5, $0x1;
	s5 =	sadd.s32 s21, s3  }
0x9d: {  	[timem:s7], [sflag:s22] =	dma.local [hbm:s5], s20  }
0x9e: {  	_ =	swait.ge [sflag:s22], s20  }
0x9f: {  	s4 =	ssub.s32 $0x0, s20;
	[sflag:s22] =	ssyncset.done $0x0  }
0xa0: {  	[sflag:s22] =	ssyncadd.s32 s4;
	_ =	sdelay $0x1  }
0xa1: {  	s23 =	simm.s32 $0x1B8B  }
0xa2: {  	_ =	swait.ge [sflag:s23], $0x1  }
0xa3: {  	[sflag:s23] =	ssyncset.done $0x0  }
0xa4: {  	s25 =	simm.s32 $0x1B8E;
	s24 =	sld [smem:$0x3FFE];
	[sflag:s23] =	ssyncadd.s32 $0xFFFFFFFF  }
0xa5: {  	s26 =	simm.s32 $execute0_lowered;
	[smem:$0x3FD2] =	sst s25  }
0xa6: {  	s5 =	sshll.u32 s26, $0x1;
	_ =	strace $0x80000046;
	[dreg:$0x1] =	wrdreg $0xFFFFFFFF  }
0xa7: {  	s28 =	simm.s32 $_size_execute0_lowered;
	s3 =	sadd.s32 s3, s5;
	[dreg:$0x0] =	wrdreg $0x0  }
0xa8: {  	s5 =	sshll.u32 s28, $0x1;
	[dreg:$0x2] =	wrdreg s3  }
0xa9: {  	[dreg:$0x3] =	wrdreg s5  }
0xaa: {  	[dreg:$0x4] =	wrdreg $0xC0  }
0xab: {  	_ =	task [dreg:s7], $0x5FFFF  }
0xac: {  	[dreg:$0x1] =	wrdreg $0xFFFFFFFF  }
0xad: {  	[dreg:$0x0] =	wrdreg $0x60  }
0xae: {  	[dreg:$0x2] =	wrdreg s2  }
0xaf: {  	[dreg:$0x3] =	wrdreg s24  }
0xb0: {  	[dreg:$0x4] =	wrdreg $0x9  }
0xb1: {  	_ =	task.clear_ibuf [dreg:s7], $0x5FFFF;
	_ =	strace $0x90000046  }
0xb2: {  	s29 =	simm.s32 $0x9;
	_ =	strace $0x80000048  }
0xb3: {  	_ =	swait.ge [sflag:s29], $0x1  }
0xb4: {  	[sflag:s29] =	ssyncadd.s32 $0xFFFFFFFF  }
0xb5: {  	_ =	strace $0x90000048  }
0xb6: {  	_ =	sfence  }
0xb7: {  	s30 =	sld [smem:$0x0];
	_ =	sdelay $0x2  }
0xb8: {  	s31 =	sshll.u32 s1, $0xD;
	s1 =	sshrl.u32 s1, $0x2  }
0xb9: {  	s3 =	sand.u32 $0x4000, s31;
	s1 =	sadd.s32 s1, s30  }
0xba: {  	s0 =	sor.u32 s3, s0;
	s1 =	sshll.u32 s1, $0x11  }
0xbb: {  	s0 =	sor.u32 s1, s0  }
0xbc: {  	s0 =	sadd.s32 $0x8F2B, s0  }
0xbd: {  	[sflag:s0] =	ssyncadd.remote.s32 $0x1  }
0xbe: {  	_ =	sfence.sel $0xFFFF  }
0xbf: {  	[dreg:$0x0] =	wrdreg $0xFFFFFFFF;
	(pc) =	sbr.abs _section_cstart, $3  }
0xc0: {  	[dreg:$0x1] =	wrdreg $0xFFFFFFFF  }
0xc1: {  	_ =	task.clear_ibuf [dreg:s7], $0x2FFFF;
	_ =	strace $0x9FFFFFFF  }
0xc2: {  	(tm) =	ssettm $0x7FFFFFFF  }
0xc3: {  	_ =	shalt  }
tec
execute0_lowered:
.L_overlay_start_1:
0x0: {  	(tag) =	ssettag $0x1  }
0x1: {  	s1 =	rddreg [dreg:$0x0];
	s2 =	srdreg.scid  }
0x2: {  	s0 =	stileid.u32;
	s4 =	rddreg [dreg:$0x1];
	v0 =	vimm.s32 $0xFEDCBA98;
	s3 =	simm.s32 $0x0;
	v1 =	vimm.s32 $0x76543210  }
0x3: {  	v2 =	vimm.s32 $0xBA98FEDC;
	s11 =	simm.s32 $0xEB80;
	s12 =	simm.s32 $0x13B80;
	s13 =	simm.s32 $0x11380  }
0x4: {  	v3 =	vimm.s32 $0x32107654;
	v4 =	vimm.s32 $0xDCFE98BA;
	s14 =	simm.s32 $0x16380;
	s15 =	simm.s32 $0x1;
	s16 =	simm.s32 $0x2  }
0x5: {  	v5 =	vimm.s32 $0x54761032;
	v6 =	vimm.s32 $0xEFCDAB89;
	v7 =	vimm.s32 $0x67452301;
	s17 =	simm.s32 $0x3;
	s2 =	sand.u32 $0x1, s2;
	s5 =	sshll.u32 s0, $0x1  }
0x6: {  	s18 =	simm.s32 $0x4;
	s19 =	simm.s32 $0x9D00;
	v0 =	vunpack.c.l.s4.s8 v0;
	v1 =	vunpack.c.l.s4.s8 v1;
	v2 =	vunpack.c.l.s4.s8 v2;
	s5 =	sor.u32 s2, s5  }
0x7: {  	s20 =	simm.s32 $0x0;
	[smem:$0x7FF] =	sst s3;
	v3 =	vunpack.c.l.s4.s8 v3;
	v4 =	vunpack.c.l.s4.s8 v4;
	v5 =	vunpack.c.l.s4.s8 v5;
	s5 =	smul.u32 $0x4E20, s5  }
0x8: {  	s6 =	sadd.s32 $0x14200, s4;
	p0 =	slt.u32 s0, $0x8;
	v6 =	vunpack.c.l.s4.s8 v6;
	v7 =	vunpack.c.l.s4.s8 v7;
	s2 =	ssub.s32 $0x2, s2;
	v0 =	vunpack.c.0.s8.s32 v0  }
0x9: {  	_ =	strace $0x80000047;
	s30 =	sshrl.u32 s2, $0x1;
	v2 =	vunpack.c.0.s8.s32 v2;
	v3 =	vunpack.c.0.s8.s32 v3;
	v4 =	vunpack.c.0.s8.s32 v4;
	s7 =	sshrl.u32 s5, $0x3  }
0xa: {  	v5 =	vunpack.c.0.s8.s32 v5;
	v6 =	vunpack.c.0.s8.s32 v6;
	v7 =	vunpack.c.0.s8.s32 v7;
	s2 =	ssub.s32 s2, s30;
	s5 =	sadd.s32 $0xFFFB1E00, s5;
	s8 =	sadd.s32 s7, s4  }
0xb: {  	v1 =	vunpack.c.0.s8.s32 v1;
	v2 =	vcombine.low v3, v2;
	s31 =	sshrl.u32 s5, $0x3;
	s5 =	sadd.s32 s6, s7;
	s7 =	smax.u32 s2, $0x1  }
0xc: {  	v3 =	vcombine.low v5, v4;
	v4 =	vcombine.low v7, v6;
	v0 =	vand.u32 $0xF, v0;
	s4 =	sadd.s32 s6, s31;
	s9 =	sadd.s32 $0x800, s8;
	s10 =	sadd.s32 $0xA440, s8  }
0xd: {  	v0 =	vcombine.low v0, v1;
	s6 =	sadd.s32 $0x27C00, s8;
	s8 =	simm.s32 $0x5;
	s4 =	smov.u32 @p0 s9  }
0xe: {  	v1 =	vand.u32 $0xF, v2;
	v2 =	vand.u32 $0xF, v3;
	v3 =	vand.u32 $0xF, v4;
	s5 =	smov.u32 @p0 s10;
	s9 =	simm.s32 $0x4E80;
	s10 =	simm.s32 $0x50  }
.LBB2_1:
0xf: {  	[tilespmem:s3], [sflag:$0x5] =	stream.linear.gather [hbm4b:s4+s3], $0x4E20, $0x38;
	[tilespmem:$0x18B80] =	vst v63  }
0x10: {  	_ =	swait.ge [sflag:s8], $0x4E20  }
0x11: {  	[sflag:s8] =	ssyncset.done $0x0  }
0x12: {  	[sflag:s8] =	ssyncadd.s32 $0xFFFFB1E0  }
0x13: {  	[tilespmem:s9], [sflag:$0x5] =	stream.linear.gather [hbm4b:s5+s3], $0x4E20, $0x38;
	[tilespmem:$0x18B80] =	vst v63  }
0x14: {  	_ =	swait.ge [sflag:s8], $0x4E20  }
0x15: {  	[sflag:s8] =	ssyncset.done $0x0  }
0x16: {  	[sflag:s8] =	ssyncadd.s32 $0xFFFFB1E0  }
0x17: {  	[tilespmem:s11], [sflag:$0x1] =	stream.indirect.gather [hbm4b:s1+s10], $0x80, s3, s10, $0xb8;
	[tilespmem:$0x18B80] =	vst v63  }
0x18: {  	s21 =	simm.s32 $0x9D01;
	s22 =	simm.s32 $0x9D51;
	s23 =	simm.s32 $0x0  }
0x19: {  	[tilespmem:s12], [sflag:$0x2] =	stream.indirect.gather [hbm4b:s1+s10], $0x80, s9, s10, $0xb8;
	[tilespmem:$0x18B80] =	vst v63  }
.LBB2_2:
0x1a: {  	s24 =	smul.u32 $0xA0, s23;
	_ =	sdelay $0x1  }
0x1b: {  	s2 =	sadd.s32 $0x50, s24  }
0x1c: {  	[tilespmem:s13], [sflag:$0x3] =	stream.indirect.gather [hbm4b:s1+s10], $0x80, s2, s10, $0xb8;
	[tilespmem:$0x18B80] =	vst v63  }
0x1d: {  	s26 =	sadd.s32 $0x4ED0, s24  }
0x1e: {  	[tilespmem:s14], [sflag:$0x4] =	stream.indirect.gather [hbm4b:s1+s10], $0x80, s26, s10, $0xb8;
	[tilespmem:$0x18B80] =	vst v63  }
0x1f: {  	_ =	swait.ge [sflag:s15], $0x2800  }
0x20: {  	[sflag:s15] =	ssyncset.done $0x0  }
0x21: {  	[sflag:s15] =	ssyncadd.s32 $0xFFFFD800  }
0x22: {  	_ =	swait.ge [sflag:s16], $0x2800  }
0x23: {  	[sflag:s16] =	ssyncset.done $0x0  }
0x24: {  	s2 =	simm.s32 $0xEC00;
	[sflag:s16] =	ssyncadd.s32 $0xFFFFD800  }
0x25: {  	s26 =	simm.s32 $0x13C00;
	v4 =	vld [tilespmem:s2+$0xFFFFFFE0]  }
0x26: {  	v5 =	vld [tilespmem:s26+$0xFFFFFFE0]  }
0x27: {  	v6 =	vld [tilespmem:s2+$0xFFFFFFC0]  }
0x28: {  	v7 =	vld [tilespmem:s26+$0xFFFFFFC0]  }
0x29: {  	v8 =	vld [tilespmem:s2+$0xFFFFFF80]  }
0x2a: {  	v9 =	vld [tilespmem:s26+$0xFFFFFF80]  }
0x2b: {  	v10 =	vld [tilespmem:s2+$0xFFFFFF90]  }
0x2c: {  	v11 =	vld [tilespmem:s26+$0xFFFFFF90]  }
0x2d: {  	v12 =	vld [tilespmem:s2+$0xFFFFFFA0]  }
0x2e: {  	v13 =	vld [tilespmem:s26+$0xFFFFFFA0]  }
0x2f: {  	v14 =	vld [tilespmem:s2+$0xFFFFFFB0]  }
0x30: {  	v15 =	vld [tilespmem:s26+$0xFFFFFFB0]  }
0x31: {  	v16 =	vld [tilespmem:s2+$0xFFFFFFD0]  }
0x32: {  	v17 =	vld [tilespmem:s26+$0xFFFFFFD0]  }
0x33: {  	v18 =	vld [tilespmem:s2+$0xFFFFFFF0]  }
0x34: {  	v19 =	vld [tilespmem:s26+$0xFFFFFFF0];
	v8 =	vmul.f32 v9, v8;
	v9 =	vmul.f32 v13, v12  }
0x35: {  	v10 =	vmul.f32 v11, v10;
	v11 =	vmul.f32 v15, v14  }
0x36: {  	v6 =	vmul.f32 v7, v6  }
0x37: {  	v8 =	vadd.f32 v9, v8;
	v7 =	vadd.f32 v11, v10;
	v9 =	vmul.f32 v17, v16  }
0x38: {  	v4 =	vmul.f32 v5, v4  }
0x39: {  	v6 =	vadd.f32 v6, v8;
	v5 =	vadd.f32 v9, v7;
	v7 =	vmul.f32 v19, v18;
	_ =	sdelay $0x1  }
0x3a: {  	v4 =	vadd.f32 v4, v6;
	v5 =	vadd.f32 v7, v5;
	_ =	sdelay $0x1  }
0x3b: {  	v4 =	vadd.f32 v5, v4;
	_ =	sdelay $0x1  }
0x3c: {  	s28 =	simm.s32 $0x13D00;
	v5 =	vperm.xlane v4, v0  }
0x3d: {  	s25 =	simm.s32 $0xED00;
	v20 =	vld [tilespmem:s28+$0xFFFFFFA0]  }
0x3e: {  	v21 =	vld [tilespmem:s25+$0xFFFFFFB0];
	v4 =	vadd.f32 v4, v5  }
0x3f: {  	v22 =	vld [tilespmem:s28+$0xFFFFFFB0]  }
0x40: {  	v12 =	vld [tilespmem:s25+$0xFFFFFFC0];
	v5 =	vperm.xlane v4, v1  }
0x41: {  	v13 =	vld [tilespmem:s28+$0xFFFFFFC0]  }
0x42: {  	v14 =	vld [tilespmem:s25+$0xFFFFFFD0];
	v4 =	vadd.f32 v4, v5  }
0x43: {  	v15 =	vld [tilespmem:s28+$0xFFFFFFD0]  }
0x44: {  	v10 =	vld [tilespmem:s25+$0xFFFFFFF0];
	v5 =	vperm.xlane v4, v2  }
0x45: {  	v11 =	vld [tilespmem:s28+$0xFFFFFFF0]  }
0x46: {  	v16 =	vld [tilespmem:s28+$0xFFFFFF80];
	v4 =	vadd.f32 v4, v5  }
0x47: {  	v17 =	vld [tilespmem:s25+$0xFFFFFF90]  }
0x48: {  	v8 =	vld [tilespmem:s25+$0xFFFFFFE0];
	v5 =	vperm.xlane v4, v3  }
0x49: {  	v9 =	vld [tilespmem:s28+$0xFFFFFFE0]  }
0x4a: {  	v19 =	vld [tilespmem:s25+$0xFFFFFFA0];
	v4 =	vadd.f32 v4, v5  }
0x4b: {  	v7 =	vld [tilespmem:s25+$0xFFFFFF80]  }
0x4c: {  	v18 =	vld [tilespmem:s28+$0xFFFFFF90];
	[tilespmem:s21+$0xFFFFFFFF] =	vst.msk $0x1, v4  }
0x4d: {  	v4 =	vld [tilespmem:s2+$0x60]  }
0x4e: {  	v5 =	vld [tilespmem:s26+$0x60]  }
0x4f: {  	v6 =	vld [tilespmem:s2+$0x40]  }
0x50: {  	v19 =	vmul.f32 v20, v19;
	v16 =	vmul.f32 v16, v7;
	v7 =	vld [tilespmem:s26+$0x40]  }
0x51: {  	v17 =	vmul.f32 v18, v17;
	v18 =	vmul.f32 v22, v21;
	v20 =	vld [tilespmem:s2+$0x0]  }
0x52: {  	v12 =	vmul.f32 v13, v12;
	v16 =	vadd.f32 v19, v16;
	v62 =	vld [tilespmem:s26+$0x0]  }
0x53: {  	v14 =	vmul.f32 v15, v14;
	v13 =	vadd.f32 v18, v17;
	v63 =	vld [tilespmem:s2+$0x10]  }
0x54: {  	v12 =	vadd.f32 v12, v16;
	v16 =	vld [tilespmem:s26+$0x10]  }
0x55: {  	v10 =	vmul.f32 v11, v10;
	v8 =	vmul.f32 v9, v8;
	v13 =	vadd.f32 v14, v13;
	v9 =	vld [tilespmem:s2+$0x20]  }
0x56: {  	v11 =	vld [tilespmem:s26+$0x20]  }
0x57: {  	v10 =	vadd.f32 v10, v13;
	v8 =	vadd.f32 v8, v12;
	v12 =	vld [tilespmem:s2+$0x30]  }
0x58: {  	v15 =	vld [tilespmem:s26+$0x30]  }
0x59: {  	v18 =	vadd.f32 v10, v8;
	v13 =	vld [tilespmem:s2+$0x50]  }
0x5a: {  	v14 =	vld [tilespmem:s26+$0x50]  }
0x5b: {  	s31 =	simm.s32 $0x2;
	s30 =	smov.u32 s21;
	v19 =	vperm.xlane v18, v0;
	v8 =	vld [tilespmem:s2+$0x70]  }
0x5c: {  	s29 =	simm.s32 $0x13D00;
	s2 =	simm.s32 $0xEE00;
	v10 =	vld [tilespmem:s26+$0x70];
	s26 =	smov.u32 s21;
	v17 =	vmul.f32 v62, v20;
	v16 =	vmul.f32 v16, v63  }
.LBB2_3:
0x5d: {  	v20 =	vld [tilespmem:s2+$0xFFFFFFE0];
	s28 =	sadd.s32 $0x100, s28;
	v9 =	vmul.f32 v11, v9;
	v11 =	vmul.f32 v15, v12  }
0x5e: {  	v15 =	vadd.f32 v18, v19;
	v6 =	vmul.f32 v7, v6;
	v12 =	vld [tilespmem:s28+$0xFFFFFFE0]  }
0x5f: {  	v18 =	vld [tilespmem:s2+$0xFFFFFFF0];
	v7 =	vadd.f32 v9, v17;
	v9 =	vadd.f32 v11, v16;
	v11 =	vmul.f32 v14, v13  }
0x60: {  	v4 =	vmul.f32 v5, v4;
	v14 =	vperm.xlane v15, v1;
	v13 =	vld [tilespmem:s28+$0xFFFFFFF0]  }
0x61: {  	v16 =	vld [tilespmem:s2+$0xFFFFFFC0];
	v5 =	vadd.f32 v6, v7;
	v6 =	vadd.f32 v11, v9;
	v7 =	vmul.f32 v10, v8  }
0x62: {  	v9 =	vadd.f32 v15, v14;
	v8 =	vld [tilespmem:s28+$0xFFFFFFC0]  }
0x63: {  	v10 =	vld [tilespmem:s2+$0xFFFFFFD0];
	v4 =	vadd.f32 v4, v5;
	v5 =	vadd.f32 v7, v6  }
0x64: {  	v6 =	vperm.xlane v9, v2;
	v11 =	vld [tilespmem:s28+$0xFFFFFFD0]  }
0x65: {  	v7 =	vld [tilespmem:s2+$0xFFFFFF80];
	v4 =	vadd.f32 v5, v4  }
0x66: {  	v5 =	vadd.f32 v9, v6;
	v14 =	vld [tilespmem:s28+$0xFFFFFF80]  }
0x67: {  	v9 =	vld [tilespmem:s2+$0xFFFFFF90];
	v6 =	vperm.xlane v4, v0  }
0x68: {  	v17 =	vperm.xlane v5, v3;
	v15 =	vld [tilespmem:s28+$0xFFFFFF90]  }
0x69: {  	v19 =	vld [tilespmem:s2+$0xFFFFFFA0];
	v6 =	vadd.f32 v4, v6  }
0x6a: {  	v4 =	vadd.f32 v5, v17;
	v21 =	vld [tilespmem:s28+$0xFFFFFFA0]  }
0x6b: {  	s30 =	sadd.s32 $0x2, s30;
	v17 =	vld [tilespmem:s2+$0xFFFFFFB0];
	v5 =	vperm.xlane v6, v1  }
0x6c: {  	v22 =	vld [tilespmem:s28+$0xFFFFFFB0];
	[tilespmem:s30+$0xFFFFFFFF] =	vst.msk $0x1, v4  }
0x6d: {  	v4 =	vld [tilespmem:s25+$0x60];
	v23 =	vadd.f32 v6, v5  }
0x6e: {  	v5 =	vld [tilespmem:s29+$0x60]  }
0x6f: {  	v6 =	vld [tilespmem:s25+$0x40];
	v24 =	vperm.xlane v23, v2  }
0x70: {  	v14 =	vmul.f32 v14, v7;
	v19 =	vmul.f32 v21, v19;
	v7 =	vld [tilespmem:s29+$0x40]  }
0x71: {  	v9 =	vmul.f32 v15, v9;
	v15 =	vmul.f32 v22, v17;
	v17 =	vld [tilespmem:s25+$0x0];
	v21 =	vadd.f32 v23, v24  }
0x72: {  	v8 =	vmul.f32 v8, v16;
	v14 =	vadd.f32 v19, v14;
	v16 =	vld [tilespmem:s29+$0x0]  }
0x73: {  	v10 =	vmul.f32 v11, v10;
	v9 =	vadd.f32 v15, v9;
	v22 =	vld [tilespmem:s25+$0x10];
	v11 =	vperm.xlane v21, v3  }
0x74: {  	v12 =	vmul.f32 v12, v20;
	v8 =	vadd.f32 v8, v14;
	v20 =	vld [tilespmem:s29+$0x10]  }
0x75: {  	v13 =	vmul.f32 v13, v18;
	v10 =	vadd.f32 v10, v9;
	v9 =	vld [tilespmem:s25+$0x20];
	v14 =	vadd.f32 v21, v11  }
0x76: {  	s31 =	sadd.s32 $0x2, s31;
	v11 =	vld [tilespmem:s29+$0x20]  }
0x77: {  	p0 =	slt.u32 s31, $0x4E;
	v8 =	vadd.f32 v12, v8;
	v10 =	vadd.f32 v13, v10;
	v12 =	vld [tilespmem:s25+$0x30];
	[tilespmem:s26+$0x0] =	vst.msk $0x1, v14;
	s26 =	smov.u32 s30  }
.Ltmp0:
0x78: {  	v15 =	vld [tilespmem:s29+$0x30];
	(pc) =	sbr.rel @p0 .LBB2_3-.Ltmp0, $4  }
0x79: {  	v18 =	vadd.f32 v10, v8;
	v13 =	vld [tilespmem:s25+$0x50]  }
0x7a: {  	v14 =	vld [tilespmem:s29+$0x50]  }
0x7b: {  	v19 =	vperm.xlane v18, v0;
	v8 =	vld [tilespmem:s25+$0x70];
	s25 =	smov.u32 s2  }
0x7c: {  	v17 =	vmul.f32 v16, v17;
	v16 =	vmul.f32 v20, v22;
	s2 =	sadd.s32 $0x100, s2;
	v10 =	vld [tilespmem:s29+$0x70];
	s29 =	smov.u32 s28  }
0x7d: {  	v18 =	vadd.f32 v18, v19;
	_ =	sdelay $0x1  }
0x7e: {  	v19 =	vperm.xlane v18, v1;
	_ =	sdelay $0x1  }
0x7f: {  	v18 =	vadd.f32 v18, v19;
	_ =	sdelay $0x1  }
0x80: {  	v19 =	vperm.xlane v18, v2;
	_ =	sdelay $0x1  }
0x81: {  	v18 =	vadd.f32 v18, v19;
	_ =	sdelay $0x1  }
0x82: {  	v19 =	vperm.xlane v18, v3;
	_ =	sdelay $0x1  }
0x83: {  	v18 =	vadd.f32 v18, v19  }
0x84: {  	s2 =	sadd.s32 $0x2, s30  }
0x85: {  	[tilespmem:s2+$0xFFFFFFFF] =	vst.msk $0x1, v18  }
0x86: {  	v18 =	vld [tilespmem:s25+$0x60]  }
0x87: {  	v19 =	vld [tilespmem:s29+$0x60]  }
0x88: {  	v20 =	vld [tilespmem:s25+$0x40]  }
0x89: {  	v21 =	vld [tilespmem:s29+$0x40]  }
0x8a: {  	v22 =	vld [tilespmem:s25+$0x0]  }
0x8b: {  	v23 =	vld [tilespmem:s29+$0x0]  }
0x8c: {  	v24 =	vld [tilespmem:s25+$0x10]  }
0x8d: {  	v25 =	vld [tilespmem:s29+$0x10]  }
0x8e: {  	v26 =	vld [tilespmem:s25+$0x20]  }
0x8f: {  	v27 =	vld [tilespmem:s29+$0x20]  }
0x90: {  	v28 =	vld [tilespmem:s25+$0x30]  }
0x91: {  	v29 =	vld [tilespmem:s29+$0x30]  }
0x92: {  	v30 =	vld [tilespmem:s25+$0x50]  }
0x93: {  	v9 =	vmul.f32 v11, v9;
	v11 =	vmul.f32 v15, v12;
	v12 =	vld [tilespmem:s29+$0x50]  }
0x94: {  	v6 =	vmul.f32 v7, v6;
	v7 =	vmul.f32 v14, v13;
	v13 =	vld [tilespmem:s25+$0x70]  }
0x95: {  	v9 =	vadd.f32 v9, v17;
	v17 =	vld [tilespmem:s29+$0x70];
	v14 =	vmul.f32 v23, v22;
	v15 =	vmul.f32 v25, v24  }
0x96: {  	v11 =	vadd.f32 v11, v16;
	v16 =	vmul.f32 v27, v26;
	v59 =	vmul.f32 v29, v28  }
0x97: {  	v4 =	vmul.f32 v5, v4;
	v5 =	vadd.f32 v6, v9;
	v6 =	vmul.f32 v21, v20  }
0x98: {  	v12 =	vmul.f32 v12, v30;
	v9 =	vadd.f32 v16, v14;
	v14 =	vadd.f32 v59, v15  }
0x99: {  	v7 =	vadd.f32 v7, v11;
	v8 =	vmul.f32 v10, v8;
	v10 =	vmul.f32 v19, v18  }
0x9a: {  	v11 =	vmul.f32 v17, v13;
	v6 =	vadd.f32 v6, v9;
	v9 =	vadd.f32 v12, v14  }
0x9b: {  	v4 =	vadd.f32 v4, v5;
	v5 =	vadd.f32 v8, v7  }
0x9c: {  	v6 =	vadd.f32 v10, v6;
	v7 =	vadd.f32 v11, v9  }
0x9d: {  	v4 =	vadd.f32 v5, v4  }
0x9e: {  	v5 =	vadd.f32 v7, v6  }
0x9f: {  	v6 =	vperm.xlane v4, v0  }
0xa0: {  	v7 =	vperm.xlane v5, v0  }
0xa1: {  	v4 =	vadd.f32 v4, v6  }
0xa2: {  	v5 =	vadd.f32 v5, v7  }
0xa3: {  	v6 =	vperm.xlane v4, v1  }
0xa4: {  	v7 =	vperm.xlane v5, v1  }
0xa5: {  	v4 =	vadd.f32 v4, v6  }
0xa6: {  	v5 =	vadd.f32 v5, v7  }
0xa7: {  	v6 =	vperm.xlane v4, v2  }
0xa8: {  	v7 =	vperm.xlane v5, v2  }
0xa9: {  	v4 =	vadd.f32 v4, v6  }
0xaa: {  	v5 =	vadd.f32 v5, v7  }
0xab: {  	v6 =	vperm.xlane v4, v3  }
0xac: {  	v7 =	vperm.xlane v5, v3  }
0xad: {  	v4 =	vadd.f32 v4, v6  }
0xae: {  	v5 =	vadd.f32 v5, v7  }
0xaf: {  	p0 =	seq.s32 s23, $0x7C;
	[tilespmem:s26+$0x0] =	vst.msk $0x1, v4  }
0xb0: {  	s25 =	simm.s32 @!p0 $0x50;
	s26 =	simm.s32 @!p0 $0xEB80;
	[tilespmem:s2+$0x0] =	vst.msk $0x1, v5;
	s2 =	sadd.s32 @!p0 $0xA0, s24  }
0xb1: {  	[tilespmem:s26], [sflag:$0x1] =	stream.indirect.gather @!p0 [hbm4b:s1+s25], $0x80, s2, s25, $0xb8;
	[tilespmem:$0x18B80] =	vst v63  }
0xb2: {  	s2 =	sadd.s32 @!p0 $0x4F20, s24;
	s24 =	simm.s32 @!p0 $0x13B80  }
0xb3: {  	[tilespmem:s24], [sflag:$0x2] =	stream.indirect.gather @!p0 [hbm4b:s1+s25], $0x80, s2, s25, $0xb8;
	[tilespmem:$0x18B80] =	vst v63  }
0xb4: {  	_ =	swait.ge [sflag:s17], $0x2800  }
0xb5: {  	[sflag:s17] =	ssyncset.done $0x0  }
0xb6: {  	[sflag:s17] =	ssyncadd.s32 $0xFFFFD800  }
0xb7: {  	_ =	swait.ge [sflag:s18], $0x2800  }
0xb8: {  	[sflag:s18] =	ssyncset.done $0x0  }
0xb9: {  	s25 =	simm.s32 $0x11470;
	[sflag:s18] =	ssyncadd.s32 $0xFFFFD800  }
0xba: {  	s31 =	simm.s32 $0x16470;
	v4 =	vld [tilespmem:s25+$0xFFFFFF70]  }
0xbb: {  	v5 =	vld [tilespmem:s31+$0xFFFFFF70]  }
0xbc: {  	v6 =	vld [tilespmem:s25+$0xFFFFFF50]  }
0xbd: {  	v7 =	vld [tilespmem:s31+$0xFFFFFF50]  }
0xbe: {  	v8 =	vld [tilespmem:s25+$0xFFFFFF10]  }
0xbf: {  	v9 =	vld [tilespmem:s31+$0xFFFFFF10]  }
0xc0: {  	v10 =	vld [tilespmem:s25+$0xFFFFFF20]  }
0xc1: {  	v11 =	vld [tilespmem:s31+$0xFFFFFF20]  }
0xc2: {  	v12 =	vld [tilespmem:s25+$0xFFFFFF30]  }
0xc3: {  	v13 =	vld [tilespmem:s31+$0xFFFFFF30]  }
0xc4: {  	v14 =	vld [tilespmem:s25+$0xFFFFFF40]  }
0xc5: {  	v15 =	vld [tilespmem:s31+$0xFFFFFF40]  }
0xc6: {  	v16 =	vld [tilespmem:s25+$0xFFFFFF60]  }
0xc7: {  	v17 =	vld [tilespmem:s31+$0xFFFFFF60]  }
0xc8: {  	v18 =	vld [tilespmem:s25+$0xFFFFFF80]  }
0xc9: {  	v19 =	vld [tilespmem:s31+$0xFFFFFF80];
	v8 =	vmul.f32 v9, v8;
	v9 =	vmul.f32 v13, v12  }
0xca: {  	v10 =	vmul.f32 v11, v10;
	v11 =	vmul.f32 v15, v14  }
0xcb: {  	v6 =	vmul.f32 v7, v6  }
0xcc: {  	v8 =	vadd.f32 v9, v8;
	v7 =	vadd.f32 v11, v10;
	v9 =	vmul.f32 v17, v16  }
0xcd: {  	v4 =	vmul.f32 v5, v4  }
0xce: {  	v6 =	vadd.f32 v6, v8;
	v5 =	vadd.f32 v9, v7;
	v7 =	vmul.f32 v19, v18;
	_ =	sdelay $0x1  }
0xcf: {  	v4 =	vadd.f32 v4, v6;
	v5 =	vadd.f32 v7, v5;
	_ =	sdelay $0x1  }
0xd0: {  	v4 =	vadd.f32 v5, v4;
	_ =	sdelay $0x1  }
0xd1: {  	s26 =	simm.s32 $0x16570;
	v5 =	vperm.xlane v4, v0  }
0xd2: {  	s24 =	simm.s32 $0x11570;
	v20 =	vld [tilespmem:s26+$0xFFFFFF30]  }
0xd3: {  	v60 =	vld [tilespmem:s24+$0xFFFFFF40];
	v4 =	vadd.f32 v4, v5  }
0xd4: {  	v61 =	vld [tilespmem:s26+$0xFFFFFF40]  }
0xd5: {  	v12 =	vld [tilespmem:s24+$0xFFFFFF50];
	v5 =	vperm.xlane v4, v1  }
0xd6: {  	v13 =	vld [tilespmem:s26+$0xFFFFFF50]  }
0xd7: {  	v14 =	vld [tilespmem:s24+$0xFFFFFF60];
	v4 =	vadd.f32 v4, v5  }
0xd8: {  	v15 =	vld [tilespmem:s26+$0xFFFFFF60]  }
0xd9: {  	v10 =	vld [tilespmem:s24+$0xFFFFFF80];
	v5 =	vperm.xlane v4, v2  }
0xda: {  	v11 =	vld [tilespmem:s26+$0xFFFFFF80]  }
0xdb: {  	v16 =	vld [tilespmem:s26+$0xFFFFFF10];
	v4 =	vadd.f32 v4, v5  }
0xdc: {  	v17 =	vld [tilespmem:s24+$0xFFFFFF20]  }
0xdd: {  	v8 =	vld [tilespmem:s24+$0xFFFFFF70];
	v5 =	vperm.xlane v4, v3  }
0xde: {  	v9 =	vld [tilespmem:s26+$0xFFFFFF70]  }
0xdf: {  	v19 =	vld [tilespmem:s24+$0xFFFFFF30];
	v4 =	vadd.f32 v4, v5  }
0xe0: {  	v7 =	vld [tilespmem:s24+$0xFFFFFF10]  }
0xe1: {  	v18 =	vld [tilespmem:s26+$0xFFFFFF20];
	[tilespmem:s22+$0xFFFFFFFF] =	vst.msk $0x1, v4  }
0xe2: {  	v4 =	vld [tilespmem:s25+$0xFFFFFFF0]  }
0xe3: {  	v5 =	vld [tilespmem:s31+$0xFFFFFFF0]  }
0xe4: {  	v6 =	vld [tilespmem:s25+$0xFFFFFFD0]  }
0xe5: {  	v19 =	vmul.f32 v20, v19;
	v16 =	vmul.f32 v16, v7;
	v7 =	vld [tilespmem:s31+$0xFFFFFFD0]  }
0xe6: {  	v17 =	vmul.f32 v18, v17;
	v18 =	vmul.f32 v61, v60;
	v20 =	vld [tilespmem:s25+$0xFFFFFF90]  }
0xe7: {  	v12 =	vmul.f32 v13, v12;
	v16 =	vadd.f32 v19, v16;
	v62 =	vld [tilespmem:s31+$0xFFFFFF90]  }
0xe8: {  	v14 =	vmul.f32 v15, v14;
	v13 =	vadd.f32 v18, v17;
	v63 =	vld [tilespmem:s25+$0xFFFFFFA0]  }
0xe9: {  	v12 =	vadd.f32 v12, v16;
	v16 =	vld [tilespmem:s31+$0xFFFFFFA0]  }
0xea: {  	v10 =	vmul.f32 v11, v10;
	v8 =	vmul.f32 v9, v8;
	v13 =	vadd.f32 v14, v13;
	v9 =	vld [tilespmem:s25+$0xFFFFFFB0]  }
0xeb: {  	v11 =	vld [tilespmem:s31+$0xFFFFFFB0]  }
0xec: {  	v10 =	vadd.f32 v10, v13;
	v8 =	vadd.f32 v8, v12;
	v12 =	vld [tilespmem:s25+$0xFFFFFFC0]  }
0xed: {  	v15 =	vld [tilespmem:s31+$0xFFFFFFC0]  }
0xee: {  	v18 =	vadd.f32 v10, v8;
	v13 =	vld [tilespmem:s25+$0xFFFFFFE0]  }
0xef: {  	v14 =	vld [tilespmem:s31+$0xFFFFFFE0]  }
0xf0: {  	s30 =	simm.s32 $0x2;
	s28 =	simm.s32 $0x16570;
	v19 =	vperm.xlane v18, v0;
	v8 =	vld [tilespmem:s25+$0x0]  }
0xf1: {  	s29 =	smov.u32 s22;
	s2 =	simm.s32 $0x11670;
	v10 =	vld [tilespmem:s31+$0x0];
	s25 =	smov.u32 s22;
	v17 =	vmul.f32 v62, v20;
	v16 =	vmul.f32 v16, v63  }
.LBB2_5:
0xf2: {  	v20 =	vld [tilespmem:s2+$0xFFFFFF70];
	s26 =	sadd.s32 $0x100, s26;
	v9 =	vmul.f32 v11, v9;
	v11 =	vmul.f32 v15, v12  }
0xf3: {  	v15 =	vadd.f32 v18, v19;
	v6 =	vmul.f32 v7, v6;
	v12 =	vld [tilespmem:s26+$0xFFFFFF70]  }
0xf4: {  	v18 =	vld [tilespmem:s2+$0xFFFFFF80];
	v7 =	vadd.f32 v9, v17;
	v9 =	vadd.f32 v11, v16;
	v11 =	vmul.f32 v14, v13  }
0xf5: {  	v4 =	vmul.f32 v5, v4;
	v14 =	vperm.xlane v15, v1;
	v13 =	vld [tilespmem:s26+$0xFFFFFF80]  }
0xf6: {  	v16 =	vld [tilespmem:s2+$0xFFFFFF50];
	v5 =	vadd.f32 v6, v7;
	v6 =	vadd.f32 v11, v9;
	v7 =	vmul.f32 v10, v8  }
0xf7: {  	v9 =	vadd.f32 v15, v14;
	v8 =	vld [tilespmem:s26+$0xFFFFFF50]  }
0xf8: {  	v10 =	vld [tilespmem:s2+$0xFFFFFF60];
	v4 =	vadd.f32 v4, v5;
	v5 =	vadd.f32 v7, v6  }
0xf9: {  	v6 =	vperm.xlane v9, v2;
	v11 =	vld [tilespmem:s26+$0xFFFFFF60]  }
0xfa: {  	v7 =	vld [tilespmem:s2+$0xFFFFFF10];
	v4 =	vadd.f32 v5, v4  }
0xfb: {  	v5 =	vadd.f32 v9, v6;
	v14 =	vld [tilespmem:s26+$0xFFFFFF10]  }
0xfc: {  	v9 =	vld [tilespmem:s2+$0xFFFFFF20];
	v6 =	vperm.xlane v4, v0  }
0xfd: {  	v17 =	vperm.xlane v5, v3;
	v15 =	vld [tilespmem:s26+$0xFFFFFF20]  }
0xfe: {  	v19 =	vld [tilespmem:s2+$0xFFFFFF30];
	v6 =	vadd.f32 v4, v6  }
0xff: {  	v4 =	vadd.f32 v5, v17;
	v21 =	vld [tilespmem:s26+$0xFFFFFF30]  }
0x100: {  	s29 =	sadd.s32 $0x2, s29;
	v17 =	vld [tilespmem:s2+$0xFFFFFF40];
	v5 =	vperm.xlane v6, v1  }
0x101: {  	v22 =	vld [tilespmem:s26+$0xFFFFFF40];
	[tilespmem:s29+$0xFFFFFFFF] =	vst.msk $0x1, v4  }
0x102: {  	v4 =	vld [tilespmem:s24+$0xFFFFFFF0];
	v23 =	vadd.f32 v6, v5  }
0x103: {  	v5 =	vld [tilespmem:s28+$0xFFFFFFF0]  }
0x104: {  	v6 =	vld [tilespmem:s24+$0xFFFFFFD0];
	v24 =	vperm.xlane v23, v2  }
0x105: {  	v14 =	vmul.f32 v14, v7;
	v19 =	vmul.f32 v21, v19;
	v7 =	vld [tilespmem:s28+$0xFFFFFFD0]  }
0x106: {  	v9 =	vmul.f32 v15, v9;
	v15 =	vmul.f32 v22, v17;
	v17 =	vld [tilespmem:s24+$0xFFFFFF90];
	v21 =	vadd.f32 v23, v24  }
0x107: {  	v8 =	vmul.f32 v8, v16;
	v14 =	vadd.f32 v19, v14;
	v16 =	vld [tilespmem:s28+$0xFFFFFF90]  }
0x108: {  	v10 =	vmul.f32 v11, v10;
	v9 =	vadd.f32 v15, v9;
	v22 =	vld [tilespmem:s24+$0xFFFFFFA0];
	v11 =	vperm.xlane v21, v3  }
0x109: {  	v12 =	vmul.f32 v12, v20;
	v8 =	vadd.f32 v8, v14;
	v20 =	vld [tilespmem:s28+$0xFFFFFFA0]  }
0x10a: {  	v13 =	vmul.f32 v13, v18;
	v10 =	vadd.f32 v10, v9;
	v9 =	vld [tilespmem:s24+$0xFFFFFFB0];
	v14 =	vadd.f32 v21, v11  }
0x10b: {  	s30 =	sadd.s32 $0x2, s30;
	v11 =	vld [tilespmem:s28+$0xFFFFFFB0]  }
0x10c: {  	p0 =	slt.u32 s30, $0x4E;
	v8 =	vadd.f32 v12, v8;
	v10 =	vadd.f32 v13, v10;
	v12 =	vld [tilespmem:s24+$0xFFFFFFC0];
	[tilespmem:s25+$0x0] =	vst.msk $0x1, v14;
	s25 =	smov.u32 s29  }
.Ltmp1:
0x10d: {  	v15 =	vld [tilespmem:s28+$0xFFFFFFC0];
	(pc) =	sbr.rel @p0 .LBB2_5-.Ltmp1, $4  }
0x10e: {  	v18 =	vadd.f32 v10, v8;
	v13 =	vld [tilespmem:s24+$0xFFFFFFE0]  }
0x10f: {  	v14 =	vld [tilespmem:s28+$0xFFFFFFE0]  }
0x110: {  	v19 =	vperm.xlane v18, v0;
	v8 =	vld [tilespmem:s24+$0x0];
	s24 =	smov.u32 s2  }
0x111: {  	v17 =	vmul.f32 v16, v17;
	v16 =	vmul.f32 v20, v22;
	s2 =	sadd.s32 $0x100, s2;
	v10 =	vld [tilespmem:s28+$0x0];
	s28 =	smov.u32 s26  }
0x112: {  	v18 =	vadd.f32 v18, v19;
	_ =	sdelay $0x1  }
0x113: {  	v19 =	vperm.xlane v18, v1;
	_ =	sdelay $0x1  }
0x114: {  	v18 =	vadd.f32 v18, v19;
	_ =	sdelay $0x1  }
0x115: {  	v19 =	vperm.xlane v18, v2;
	_ =	sdelay $0x1  }
0x116: {  	v18 =	vadd.f32 v18, v19;
	_ =	sdelay $0x1  }
0x117: {  	v19 =	vperm.xlane v18, v3;
	_ =	sdelay $0x1  }
0x118: {  	v18 =	vadd.f32 v18, v19  }
0x119: {  	s2 =	sadd.s32 $0x2, s29  }
0x11a: {  	[tilespmem:s2+$0xFFFFFFFF] =	vst.msk $0x1, v18  }
0x11b: {  	v18 =	vld [tilespmem:s24+$0xFFFFFFF0]  }
0x11c: {  	v46 =	vld [tilespmem:s28+$0xFFFFFFF0]  }
0x11d: {  	v20 =	vld [tilespmem:s24+$0xFFFFFFD0]  }
0x11e: {  	v21 =	vld [tilespmem:s28+$0xFFFFFFD0]  }
0x11f: {  	v22 =	vld [tilespmem:s24+$0xFFFFFF90]  }
0x120: {  	v23 =	vld [tilespmem:s28+$0xFFFFFF90]  }
0x121: {  	v24 =	vld [tilespmem:s24+$0xFFFFFFA0]  }
0x122: {  	v25 =	vld [tilespmem:s28+$0xFFFFFFA0]  }
0x123: {  	v26 =	vld [tilespmem:s24+$0xFFFFFFB0]  }
0x124: {  	v27 =	vld [tilespmem:s28+$0xFFFFFFB0]  }
0x125: {  	v28 =	vld [tilespmem:s24+$0xFFFFFFC0]  }
0x126: {  	v29 =	vld [tilespmem:s28+$0xFFFFFFC0]  }
0x127: {  	v9 =	vmul.f32 v11, v9;
	v30 =	vld [tilespmem:s24+$0xFFFFFFE0]  }
0x128: {  	v47 =	vmul.f32 v15, v12;
	v6 =	vmul.f32 v7, v6;
	v48 =	vld [tilespmem:s28+$0xFFFFFFE0]  }
0x129: {  	v4 =	vmul.f32 v5, v4;
	v49 =	vmul.f32 v14, v13;
	v50 =	vld [tilespmem:s24+$0x0]  }
0x12a: {  	v9 =	vadd.f32 v9, v17;
	v53 =	vld [tilespmem:s28+$0x0];
	v51 =	vmul.f32 v23, v22;
	v52 =	vmul.f32 v25, v24  }
0x12b: {  	v54 =	vmul.f32 v27, v26;
	v55 =	vmul.f32 v29, v28  }
0x12c: {  	v11 =	vadd.f32 v47, v16;
	v5 =	vadd.f32 v6, v9;
	v56 =	vmul.f32 v21, v20  }
0x12d: {  	v12 =	vmul.f32 v48, v30;
	v57 =	vadd.f32 v54, v51;
	v58 =	vadd.f32 v55, v52  }
0x12e: {  	v7 =	vadd.f32 v49, v11;
	v8 =	vmul.f32 v10, v8;
	v59 =	vmul.f32 v46, v18  }
0x12f: {  	v61 =	vmul.f32 v53, v50;
	v6 =	vadd.f32 v56, v57;
	v60 =	vadd.f32 v12, v58  }
0x130: {  	v4 =	vadd.f32 v4, v5;
	v5 =	vadd.f32 v8, v7  }
0x131: {  	v6 =	vadd.f32 v59, v6;
	v62 =	vadd.f32 v61, v60  }
0x132: {  	v4 =	vadd.f32 v5, v4  }
0x133: {  	v5 =	vadd.f32 v62, v6  }
0x134: {  	v63 =	vperm.xlane v4, v0  }
0x135: {  	v7 =	vperm.xlane v5, v0  }
0x136: {  	v4 =	vadd.f32 v4, v63  }
0x137: {  	v5 =	vadd.f32 v5, v7  }
0x138: {  	v6 =	vperm.xlane v4, v1  }
0x139: {  	v7 =	vperm.xlane v5, v1  }
0x13a: {  	v4 =	vadd.f32 v4, v6  }
0x13b: {  	v5 =	vadd.f32 v5, v7  }
0x13c: {  	v6 =	vperm.xlane v4, v2  }
0x13d: {  	v7 =	vperm.xlane v5, v2  }
0x13e: {  	v4 =	vadd.f32 v4, v6  }
0x13f: {  	s23 =	sadd.s32 $0x1, s23;
	v5 =	vadd.f32 v5, v7  }
0x140: {  	p0 =	sne.s32 s23, $0x7D;
	v6 =	vperm.xlane v4, v3  }
.Ltmp2:
0x141: {  	v7 =	vperm.xlane v5, v3;
	(pc) =	sbr.rel @p0 .LBB2_2-.Ltmp2, $4  }
0x142: {  	v4 =	vadd.f32 v4, v6  }
0x143: {  	v5 =	vadd.f32 v5, v7  }
0x144: {  	[tilespmem:s25+$0x0] =	vst.msk $0x1, v4  }
0x145: {  	s21 =	sadd.s32 $0xA0, s21;
	s22 =	sadd.s32 $0xA0, s22;
	[tilespmem:s2+$0x0] =	vst.msk $0x1, v5  }
0x146: {  	s20 =	sadd.s32 $0x1, s20  }
0x147: {  	p0 =	sne.s32 s20, s7  }
.Ltmp3:
0x148: {  	_ = 	snop;
	(pc) =	sbr.rel @p0 .LBB2_1-.Ltmp3, $4  }
0x149: {  	[hbm4b:s6+s3] =	stream.linear.scatter [tilespmem:s19], [sflag:$0x5], $0x4E20, $0x38;
	[tilespmem:$0x18B80] =	vst v63  }
0x14a: {  	_ =	swait.ge [sflag:s8], $0x4E20  }
0x14b: {  	[sflag:s8] =	ssyncset.done $0x0  }
0x14c: {  	[sflag:s8] =	ssyncadd.s32 $0xFFFFB1E0  }
0x14d: {  	_ =	sfence.sel $0x180000  }
0x14e: {  	[bflag:$0x0] =	sbarrier.arrive $0xFFFF  }
0x14f: {  	_ =	strace $0x90000047  }
0x150: {  	[bflag:$0x2] =	sbarrier.arrive $0xFFFF  }
0x151: {  	p0 =	sne.s32 s0, $0x0;
	s0 =	rddreg [dreg:$0x2]  }
0x152: {  	s0 =	sadd.s32 @!p0 $0x100000, s0  }
0x153: {  	[sflag:s0] =	ssyncadd.tile.s32 @!p0 $0x1;
	_ =	shalt  }
.Lfunc_end2:
_tile_overlayer_lowered:
.L_overlay_start_2:
0x154: {  	(tag) =	ssettag $0x2  }
0x155: {  	s0 =	rddreg [dreg:$0x0];
	s2 =	stileid.u32  }
0x156: {  	s1 =	rddreg [dreg:$0x1];
	p0 =	sne.s32 s2, $0x0  }
0x157: {  	s3 =	rddreg [dreg:$0x2];
	[bflag:$0x3] =	sbarrier.arrive $0xFFFF;
	s2 =	simm.s32 @!p0 $0x1C05  }
0x158: {  	[timem:s3], [sflag:s2] =	dma.local @!p0 [hbm:s0], s1  }
0x159: {  	s0 =	simm.s32 @!p0 $0x5  }
0x15a: {  	_ =	swait.ge @!p0 [sflag:s0], s1  }
0x15b: {  	s1 =	ssub.s32 @!p0 $0x0, s1;
	[sflag:s0] =	ssyncset.done @!p0 $0x0  }
0x15c: {  	[sflag:s0] =	ssyncadd.s32 @!p0 s1  }
0x15d: {  	[bflag:$0x3] =	sbarrier.arrive $0xFFFF  }
0x15e: {  	_ =	shalt  }

</sc_bundles>
